<compile_context>
chip_gen: v7x
topology: tpu7x:2x2x1
jax: 0.10.2.dev20260603
libtpu: 0.0.44.dev20260713+nightly
codegen_flags: <defaults>
</compile_context>

<pallas_src>
import functools

import numpy as np
import jax
import jax.numpy as jnp
from jax import lax
from jax.experimental import pallas as pl
from jax.experimental.pallas import tpu as pltpu
from jax.experimental.pallas import tpu_sc as plsc

_CW = 8192
_D = 128
_NF = _D // 2
_NC = 2
_NS = 16
_NW = _NC * _NS
_BPW = _CW // _NW
_CHUNK = 64
_NCHUNK = _BPW // _CHUNK
_NK = 4
_KSPAN = _BPW // _NK
_LANES = 16
_FCH = _NF // _LANES


def _freqs() -> np.ndarray:
    return np.power(10000.0, -np.arange(0, _D, 2, dtype=np.float64) / _D)


def _make_seeds() -> np.ndarray:
    th = _freqs()
    rows = (np.arange(_NW * _NK) * _KSPAN)[:, None]
    ang = rows * th[None, :]
    out = np.empty((_NW * _NK, _D), dtype=np.float64)
    out[:, 0::2] = np.sin(ang)
    out[:, 1::2] = np.cos(ang)
    return out.reshape(-1).astype(np.float32)


def _make_trig() -> np.ndarray:
    th = _freqs()
    a = np.repeat(np.cos(th), 2)
    b = np.empty(_D, dtype=np.float64)
    b[0::2] = np.sin(th)
    b[1::2] = -np.sin(th)
    return np.concatenate([a, b]).astype(np.float32)


_CONST = np.concatenate([_make_seeds(), _make_trig()])
_TRIG_OFF = _NW * _NK * _D

_mesh = plsc.VectorSubcoreMesh(core_axis_name="c", subcore_axis_name="s")


@functools.partial(
    pl.kernel,
    out_type=jax.ShapeDtypeStruct((_CW, _D), jnp.float32),
    mesh=_mesh,
    scratch_types=[
        pltpu.VMEM((_BPW,), jnp.int32),
        pltpu.VMEM((_NK * _D,), jnp.float32),
        pltpu.VMEM((2 * _D,), jnp.float32),
        pltpu.VMEM((_BPW, _D), jnp.float32),
        pltpu.SemaphoreType.DMA,
        pltpu.SemaphoreType.DMA,
        [pltpu.SemaphoreType.DMA] * _NCHUNK,
        pltpu.SemaphoreType.DMA,
    ],
)
def _embed_sc(x_hbm, const_hbm, w_hbm, out_hbm,
              idx_v, seed_v, trig_v, rows_v, isem, psem, gsems, ssem):
    wid = lax.axis_index("s") * _NC + lax.axis_index("c")
    base = wid * _BPW

    idx_cp = pltpu.async_copy(x_hbm.at[pl.ds(base, _BPW)], idx_v, isem)
    pre = [
        pltpu.async_copy(const_hbm.at[pl.ds(wid * _NK * _D, _NK * _D)],
                         seed_v, psem),
        pltpu.async_copy(const_hbm.at[pl.ds(_TRIG_OFF, 2 * _D)],
                         trig_v, psem),
    ]
    for p in pre:
        p.wait()

    swap = lax.iota(jnp.int32, _LANES) ^ 1
    nj = _D // _LANES
    rot_a = [trig_v[pl.ds(j * _LANES, _LANES)] for j in range(nj)]
    rot_b = [trig_v[pl.ds(_D + j * _LANES, _LANES)] for j in range(nj)]

    kpc = _CHUNK // _KSPAN if _CHUNK >= _KSPAN else 1
    gathers = []
    for g in range(_NCHUNK):
        state = []
        for kk in range(kpc):
            off = ((g * _CHUNK) // _KSPAN + kk) * _D
            for j in range(nj):
                state.append(seed_v[pl.ds(off + j * _LANES, _LANES)])

        def step(i, st):
            new = []
            for kk in range(kpc):
                row = g * _CHUNK + kk * _KSPAN + i
                for j in range(nj):
                    v = st[kk * nj + j]
                    rows_v[row, pl.ds(j * _LANES, _LANES)] = v
                    new.append(v * rot_a[j] + v[swap] * rot_b[j])
            return tuple(new)

        lax.fori_loop(0, min(_CHUNK, _KSPAN), step, tuple(state))

        if g == 0:
            idx_cp.wait()
        row_sl = pl.ds(g * _CHUNK, _CHUNK)
        gathers.append(pltpu.async_copy(
            w_hbm.at[idx_v.at[row_sl]], rows_v.at[row_sl, :], gsems[g],
            add=True))

    stores = []
    for g in range(_NCHUNK):
        row_sl = pl.ds(g * _CHUNK, _CHUNK)
        gathers[g].wait()
        stores.append(pltpu.async_copy(
            rows_v.at[row_sl, :],
            out_hbm.at[pl.ds(base + g * _CHUNK, _CHUNK)], ssem))
    for s in stores:
        s.wait()


def kernel(x, embed_weight):
    return _embed_sc(x, jnp.asarray(_CONST), embed_weight)

# --- scband reference (transcript-rebuilt; emitter-appended) ---
"""Pipeline reference for scband-embedder-27762668601473 (READ-ONLY COPY).

The authoritative reference and input builder live on the scoring server;
editing this copy changes nothing except your own understanding.
"""

import jax, jax.numpy as jnp
import numpy as np

CONTEXT_WINDOW = 8192
DICT_SIZE = 100000
D_EMBED = 128


def make_pe(cw, d):
    pos = jnp.arange(cw, dtype=jnp.float32)[:, None]
    denom = jnp.power(10000.0, jnp.arange(0, d, 2, dtype=jnp.float32) / d)
    pe = jnp.zeros((cw, d), dtype=jnp.float32)
    pe = pe.at[:, 0::2].set(jnp.sin(pos / denom))
    pe = pe.at[:, 1::2].set(jnp.cos(pos / denom))
    return pe


def setup_inputs(seed: int = 0) -> dict:
    key = jax.random.key(seed)
    k1, k2 = jax.random.split(key)
    x = jax.random.randint(k1, (CONTEXT_WINDOW,), 0, DICT_SIZE, dtype=jnp.int32)
    embed_weight = jax.random.normal(k2, (DICT_SIZE, D_EMBED), dtype=jnp.float32)
    return {"x": x, "embed_weight": embed_weight}


def reference(x, embed_weight):
    cw = CONTEXT_WINDOW
    d = embed_weight.shape[1]
    # F.pad(x, (0, context_window - x.shape[0]), 'constant', 0)
    x = jnp.pad(x, (0, cw - x.shape[0]), mode="constant", constant_values=0)
    # embedding lookup (gather)
    emb = jnp.take(embed_weight, x, axis=0)
    pe = make_pe(cw, d)
    return emb + pe

if __name__ == "__main__":
    import jax
    _d = setup_inputs()
    print(jax.jit(kernel)(*tuple(_d.values())))

</pallas_src>

<mosaic_0001>
#map = affine_map<(d0, d1) -> (0)>
#map1 = affine_map<(d0, d1) -> (0, 0)>
module attributes {stable_mosaic.version = 14 : i64} {
  func.func @_embed_sc(%arg0: i32, %arg1: i32, %arg2: memref<8192xi32, #tpu.memory_space<hbm>>, %arg3: memref<16640xf32, #tpu.memory_space<hbm>>, %arg4: memref<100000x128xf32, #tpu.memory_space<hbm>>, %arg5: memref<8192x128xf32, #tpu.memory_space<hbm>>, %arg6: memref<256xi32, #tpu.memory_space<vmem>>, %arg7: memref<512xf32, #tpu.memory_space<vmem>>, %arg8: memref<256xf32, #tpu.memory_space<vmem>>, %arg9: memref<256x128xf32, #tpu.memory_space<vmem>>, %arg10: memref<!tpu.dma_semaphore, #tpu.memory_space<semaphore_mem>>, %arg11: memref<!tpu.dma_semaphore, #tpu.memory_space<semaphore_mem>>, %arg12: memref<!tpu.dma_semaphore, #tpu.memory_space<semaphore_mem>>, %arg13: memref<!tpu.dma_semaphore, #tpu.memory_space<semaphore_mem>>, %arg14: memref<!tpu.dma_semaphore, #tpu.memory_space<semaphore_mem>>, %arg15: memref<!tpu.dma_semaphore, #tpu.memory_space<semaphore_mem>>, %arg16: memref<!tpu.dma_semaphore, #tpu.memory_space<semaphore_mem>>) attributes {dimension_semantics = [#tpu.dimension_semantics<core_parallel>, #tpu.dimension_semantics<subcore_parallel>], iteration_bounds = array<i64: 2, 16>, scalar_prefetch = 0 : i64, scratch_operands = 11 : i64, tpu.core_type = #tpu.core_type<sc_vector_subcore>, window_params = [{transform_indices = #map}, {transform_indices = #map}, {transform_indices = #map1}, {transform_indices = #map1}]} {
    %mul3A = arith.constant 2 : i32
    %mul3A_0 = arith.muli %arg1, %mul3A : i32
    %add3A = arith.addi %mul3A_0, %arg0 : i32
    %mul3A_1 = arith.constant 256 : i32
    %mul3A_2 = arith.muli %add3A, %mul3A_1 : i32
    %dma_start3A = tpu.memref_slice %arg2[%mul3A_2] : memref<8192xi32, #tpu.memory_space<hbm>> -> memref<256xi32, #tpu.memory_space<hbm>>
    %dma_start3A_3 = tpu.memref_slice %arg2[%mul3A_2] : memref<8192xi32, #tpu.memory_space<hbm>> -> memref<256xi32, #tpu.memory_space<hbm>>
    tpu.enqueue_dma source(%dma_start3A_3 : memref<256xi32, #tpu.memory_space<hbm>>) target(%arg6 : memref<256xi32, #tpu.memory_space<vmem>>) target_semaphore(%arg10 : memref<!tpu.dma_semaphore, #tpu.memory_space<semaphore_mem>>)
    %mul3A_4 = arith.constant 4 : i32
    %mul3A_5 = arith.muli %add3A, %mul3A_4 : i32
    %mul3A_6 = arith.constant 128 : i32
    %mul3A_7 = arith.muli %mul3A_5, %mul3A_6 : i32
    %dma_start3A_8 = tpu.memref_slice %arg3[%mul3A_7] : memref<16640xf32, #tpu.memory_space<hbm>> -> memref<512xf32, #tpu.memory_space<hbm>>
    %dma_start3A_9 = tpu.memref_slice %arg3[%mul3A_7] : memref<16640xf32, #tpu.memory_space<hbm>> -> memref<512xf32, #tpu.memory_space<hbm>>
    tpu.enqueue_dma source(%dma_start3A_9 : memref<512xf32, #tpu.memory_space<hbm>>) target(%arg7 : memref<512xf32, #tpu.memory_space<vmem>>) target_semaphore(%arg11 : memref<!tpu.dma_semaphore, #tpu.memory_space<semaphore_mem>>)
    %dma_start3A_10 = arith.constant 16384 : i32
    %dma_start3A_11 = tpu.memref_slice %arg3[%dma_start3A_10] : memref<16640xf32, #tpu.memory_space<hbm>> -> memref<256xf32, #tpu.memory_space<hbm>>
    %dma_start3A_12 = arith.constant 16384 : i32
    %dma_start3A_13 = tpu.memref_slice %arg3[%dma_start3A_12] : memref<16640xf32, #tpu.memory_space<hbm>> -> memref<256xf32, #tpu.memory_space<hbm>>
    tpu.enqueue_dma source(%dma_start3A_13 : memref<256xf32, #tpu.memory_space<hbm>>) target(%arg8 : memref<256xf32, #tpu.memory_space<vmem>>) target_semaphore(%arg11 : memref<!tpu.dma_semaphore, #tpu.memory_space<semaphore_mem>>)
    %dma_wait3A = tpu.memref_slice %arg3[%mul3A_7] : memref<16640xf32, #tpu.memory_space<hbm>> -> memref<512xf32, #tpu.memory_space<hbm>>
    %dma_wait3A_14 = tpu.memref_slice %arg3[%mul3A_7] : memref<16640xf32, #tpu.memory_space<hbm>> -> memref<512xf32, #tpu.memory_space<hbm>>
    tpu.wait_dma2 semaphore(%arg11 : memref<!tpu.dma_semaphore, #tpu.memory_space<semaphore_mem>>) src(%dma_wait3A_14 : memref<512xf32, #tpu.memory_space<hbm>>) dst(%arg7 : memref<512xf32, #tpu.memory_space<vmem>>)
    %dma_wait3A_15 = arith.constant 16384 : i32
    %dma_wait3A_16 = tpu.memref_slice %arg3[%dma_wait3A_15] : memref<16640xf32, #tpu.memory_space<hbm>> -> memref<256xf32, #tpu.memory_space<hbm>>
    %dma_wait3A_17 = arith.constant 16384 : i32
    %dma_wait3A_18 = tpu.memref_slice %arg3[%dma_wait3A_17] : memref<16640xf32, #tpu.memory_space<hbm>> -> memref<256xf32, #tpu.memory_space<hbm>>
    tpu.wait_dma2 semaphore(%arg11 : memref<!tpu.dma_semaphore, #tpu.memory_space<semaphore_mem>>) src(%dma_wait3A_18 : memref<256xf32, #tpu.memory_space<hbm>>) dst(%arg8 : memref<256xf32, #tpu.memory_space<vmem>>)
    %iota3A = tpu.iota {dimensions = array<i32: 0>} : vector<16xi32>
    %xor3A = arith.constant 1 : i32
    %xor3A_19 = vector.broadcast %xor3A : i32 to vector<16xi32>
    %xor3A_20 = arith.xori %iota3A, %xor3A_19 : vector<16xi32>
    %get3A = arith.constant 0 : index
    %get3A_21 = tpu.vector_load %arg8[%get3A] {strides = array<i32>} : memref<256xf32, #tpu.memory_space<vmem>>, vector<16xf32>,
    %get3A_22 = vector.shape_cast %get3A_21 : vector<16xf32> to vector<16xf32>
    %get3A_23 = arith.constant 16 : index
    %get3A_24 = tpu.vector_load %arg8[%get3A_23] {strides = array<i32>} : memref<256xf32, #tpu.memory_space<vmem>>, vector<16xf32>,
    %get3A_25 = vector.shape_cast %get3A_24 : vector<16xf32> to vector<16xf32>
    %get3A_26 = arith.constant 32 : index
    %get3A_27 = tpu.vector_load %arg8[%get3A_26] {strides = array<i32>} : memref<256xf32, #tpu.memory_space<vmem>>, vector<16xf32>,
    %get3A_28 = vector.shape_cast %get3A_27 : vector<16xf32> to vector<16xf32>
    %get3A_29 = arith.constant 48 : index
    %get3A_30 = tpu.vector_load %arg8[%get3A_29] {strides = array<i32>} : memref<256xf32, #tpu.memory_space<vmem>>, vector<16xf32>,
    %get3A_31 = vector.shape_cast %get3A_30 : vector<16xf32> to vector<16xf32>
    %get3A_32 = arith.constant 64 : index
    %get3A_33 = tpu.vector_load %arg8[%get3A_32] {strides = array<i32>} : memref<256xf32, #tpu.memory_space<vmem>>, vector<16xf32>,
    %get3A_34 = vector.shape_cast %get3A_33 : vector<16xf32> to vector<16xf32>
    %get3A_35 = arith.constant 80 : index
    %get3A_36 = tpu.vector_load %arg8[%get3A_35] {strides = array<i32>} : memref<256xf32, #tpu.memory_space<vmem>>, vector<16xf32>,
    %get3A_37 = vector.shape_cast %get3A_36 : vector<16xf32> to vector<16xf32>
    %get3A_38 = arith.constant 96 : index
    %get3A_39 = tpu.vector_load %arg8[%get3A_38] {strides = array<i32>} : memref<256xf32, #tpu.memory_space<vmem>>, vector<16xf32>,
    %get3A_40 = vector.shape_cast %get3A_39 : vector<16xf32> to vector<16xf32>
    %get3A_41 = arith.constant 112 : index
    %get3A_42 = tpu.vector_load %arg8[%get3A_41] {strides = array<i32>} : memref<256xf32, #tpu.memory_space<vmem>>, vector<16xf32>,
    %get3A_43 = vector.shape_cast %get3A_42 : vector<16xf32> to vector<16xf32>
    %get3A_44 = arith.constant 128 : index
    %get3A_45 = tpu.vector_load %arg8[%get3A_44] {strides = array<i32>} : memref<256xf32, #tpu.memory_space<vmem>>, vector<16xf32>,
    %get3A_46 = vector.shape_cast %get3A_45 : vector<16xf32> to vector<16xf32>
    %get3A_47 = arith.constant 144 : index
    %get3A_48 = tpu.vector_load %arg8[%get3A_47] {strides = array<i32>} : memref<256xf32, #tpu.memory_space<vmem>>, vector<16xf32>,
    %get3A_49 = vector.shape_cast %get3A_48 : vector<16xf32> to vector<16xf32>
    %get3A_50 = arith.constant 160 : index
    %get3A_51 = tpu.vector_load %arg8[%get3A_50] {strides = array<i32>} : memref<256xf32, #tpu.memory_space<vmem>>, vector<16xf32>,
    %get3A_52 = vector.shape_cast %get3A_51 : vector<16xf32> to vector<16xf32>
    %get3A_53 = arith.constant 176 : index
    %get3A_54 = tpu.vector_load %arg8[%get3A_53] {strides = array<i32>} : memref<256xf32, #tpu.memory_space<vmem>>, vector<16xf32>,
    %get3A_55 = vector.shape_cast %get3A_54 : vector<16xf32> to vector<16xf32>
    %get3A_56 = arith.constant 192 : index
    %get3A_57 = tpu.vector_load %arg8[%get3A_56] {strides = array<i32>} : memref<256xf32, #tpu.memory_space<vmem>>, vector<16xf32>,
    %get3A_58 = vector.shape_cast %get3A_57 : vector<16xf32> to vector<16xf32>
    %get3A_59 = arith.constant 208 : index
    %get3A_60 = tpu.vector_load %arg8[%get3A_59] {strides = array<i32>} : memref<256xf32, #tpu.memory_space<vmem>>, vector<16xf32>,
    %get3A_61 = vector.shape_cast %get3A_60 : vector<16xf32> to vector<16xf32>
    %get3A_62 = arith.constant 224 : index
    %get3A_63 = tpu.vector_load %arg8[%get3A_62] {strides = array<i32>} : memref<256xf32, #tpu.memory_space<vmem>>, vector<16xf32>,
    %get3A_64 = vector.shape_cast %get3A_63 : vector<16xf32> to vector<16xf32>
    %get3A_65 = arith.constant 240 : index
    %get3A_66 = tpu.vector_load %arg8[%get3A_65] {strides = array<i32>} : memref<256xf32, #tpu.memory_space<vmem>>, vector<16xf32>,
    %get3A_67 = vector.shape_cast %get3A_66 : vector<16xf32> to vector<16xf32>
    %get3A_68 = arith.constant 0 : index
    %get3A_69 = tpu.vector_load %arg7[%get3A_68] {strides = array<i32>} : memref<512xf32, #tpu.memory_space<vmem>>, vector<16xf32>,
    %get3A_70 = vector.shape_cast %get3A_69 : vector<16xf32> to vector<16xf32>
    %get3A_71 = arith.constant 16 : index
    %get3A_72 = tpu.vector_load %arg7[%get3A_71] {strides = array<i32>} : memref<512xf32, #tpu.memory_space<vmem>>, vector<16xf32>,
    %get3A_73 = vector.shape_cast %get3A_72 : vector<16xf32> to vector<16xf32>
    %get3A_74 = arith.constant 32 : index
    %get3A_75 = tpu.vector_load %arg7[%get3A_74] {strides = array<i32>} : memref<512xf32, #tpu.memory_space<vmem>>, vector<16xf32>,
    %get3A_76 = vector.shape_cast %get3A_75 : vector<16xf32> to vector<16xf32>
    %get3A_77 = arith.constant 48 : index
    %get3A_78 = tpu.vector_load %arg7[%get3A_77] {strides = array<i32>} : memref<512xf32, #tpu.memory_space<vmem>>, vector<16xf32>,
    %get3A_79 = vector.shape_cast %get3A_78 : vector<16xf32> to vector<16xf32>
    %get3A_80 = arith.constant 64 : index
    %get3A_81 = tpu.vector_load %arg7[%get3A_80] {strides = array<i32>} : memref<512xf32, #tpu.memory_space<vmem>>, vector<16xf32>,
    %get3A_82 = vector.shape_cast %get3A_81 : vector<16xf32> to vector<16xf32>
    %get3A_83 = arith.constant 80 : index
    %get3A_84 = tpu.vector_load %arg7[%get3A_83] {strides = array<i32>} : memref<512xf32, #tpu.memory_space<vmem>>, vector<16xf32>,
    %get3A_85 = vector.shape_cast %get3A_84 : vector<16xf32> to vector<16xf32>
    %get3A_86 = arith.constant 96 : index
    %get3A_87 = tpu.vector_load %arg7[%get3A_86] {strides = array<i32>} : memref<512xf32, #tpu.memory_space<vmem>>, vector<16xf32>,
    %get3A_88 = vector.shape_cast %get3A_87 : vector<16xf32> to vector<16xf32>
    %get3A_89 = arith.constant 112 : index
    %get3A_90 = tpu.vector_load %arg7[%get3A_89] {strides = array<i32>} : memref<512xf32, #tpu.memory_space<vmem>>, vector<16xf32>,
    %get3A_91 = vector.shape_cast %get3A_90 : vector<16xf32> to vector<16xf32>
    %scan3A = arith.constant 0 : i32
    %scan3A_92 = arith.constant 64 : i32
    %scan3A_93 = arith.addi %scan3A, %scan3A_92 : i32
    %scan3A_94 = arith.constant 1 : i32
    %scan3A_95:8 = scf.for %scan3A_341 = %scan3A to %scan3A_93 step %scan3A_94 iter_args(%scan3A_342 = %get3A_70, %scan3A_343 = %get3A_73, %scan3A_344 = %get3A_76, %scan3A_345 = %get3A_79, %scan3A_346 = %get3A_82, %scan3A_347 = %get3A_85, %scan3A_348 = %get3A_88, %scan3A_349 = %get3A_91) -> (vector<16xf32>, vector<16xf32>, vector<16xf32>, vector<16xf32>, vector<16xf32>, vector<16xf32>, vector<16xf32>, vector<16xf32>)  : i32 {
      %add3A_350 = arith.constant 0 : i32
      %add3A_351 = arith.addi %add3A_350, %scan3A_341 : i32
      %swap3A = arith.index_cast %add3A_351 : i32 to index
      %swap3A_352 = arith.constant 0 : index
      %swap3A_353 = tpu.vector_load %arg9[%swap3A, %swap3A_352] {strides = array<i32>} : memref<256x128xf32, #tpu.memory_space<vmem>>, vector<1x16xf32>,
      %swap3A_354 = vector.shape_cast %swap3A_353 : vector<1x16xf32> to vector<16xf32>
      %swap3A_355 = vector.shape_cast %scan3A_342 : vector<16xf32> to vector<1x16xf32>
      tpu.vector_store %arg9[%swap3A, %swap3A_352], %swap3A_355 {strides = array<i32>} : memref<256x128xf32, #tpu.memory_space<vmem>>, vector<1x16xf32>,
      %mul3A_356 = arith.mulf %scan3A_342, %get3A_22 : vector<16xf32>
      %lt3A = arith.constant 0 : i32
      %lt3A_357 = vector.broadcast %lt3A : i32 to vector<16xi32>
      %lt3A_358 = arith.cmpi slt, %xor3A_20, %lt3A_357 : vector<16xi32>
      %add3A_359 = arith.constant 16 : i32
      %add3A_360 = vector.broadcast %add3A_359 : i32 to vector<16xi32>
      %add3A_361 = arith.addi %xor3A_20, %add3A_360 : vector<16xi32>
      %select_n3A = arith.select %lt3A_358, %add3A_361, %xor3A_20 : vector<16xi1>, vector<16xi32>
      %broadcast_in_dim3A = vector.shape_cast %select_n3A : vector<16xi32> to vector<16x1xi32>
      %gather3A = vector.shape_cast %broadcast_in_dim3A : vector<16x1xi32> to vector<16xi32>
      %gather3A_362 = tpu.dynamic_gather %scan3A_342[%gather3A] in [0] : vector<16xf32>, vector<16xi32> -> vector<16xf32>
      %mul3A_363 = arith.mulf %gather3A_362, %get3A_46 : vector<16xf32>
      %add3A_364 = arith.addf %mul3A_356, %mul3A_363 : vector<16xf32>
      %swap3A_365 = arith.index_cast %add3A_351 : i32 to index
      %swap3A_366 = arith.constant 16 : index
      %swap3A_367 = tpu.vector_load %arg9[%swap3A_365, %swap3A_366] {strides = array<i32>} : memref<256x128xf32, #tpu.memory_space<vmem>>, vector<1x16xf32>,
      %swap3A_368 = vector.shape_cast %swap3A_367 : vector<1x16xf32> to vector<16xf32>
      %swap3A_369 = vector.shape_cast %scan3A_343 : vector<16xf32> to vector<1x16xf32>
      tpu.vector_store %arg9[%swap3A_365, %swap3A_366], %swap3A_369 {strides = array<i32>} : memref<256x128xf32, #tpu.memory_space<vmem>>, vector<1x16xf32>,
      %mul3A_370 = arith.mulf %scan3A_343, %get3A_25 : vector<16xf32>
      %lt3A_371 = arith.constant 0 : i32
      %lt3A_372 = vector.broadcast %lt3A_371 : i32 to vector<16xi32>
      %lt3A_373 = arith.cmpi slt, %xor3A_20, %lt3A_372 : vector<16xi32>
      %add3A_374 = arith.constant 16 : i32
      %add3A_375 = vector.broadcast %add3A_374 : i32 to vector<16xi32>
      %add3A_376 = arith.addi %xor3A_20, %add3A_375 : vector<16xi32>
      %select_n3A_377 = arith.select %lt3A_373, %add3A_376, %xor3A_20 : vector<16xi1>, vector<16xi32>
      %broadcast_in_dim3A_378 = vector.shape_cast %select_n3A_377 : vector<16xi32> to vector<16x1xi32>
      %gather3A_379 = vector.shape_cast %broadcast_in_dim3A_378 : vector<16x1xi32> to vector<16xi32>
      %gather3A_380 = tpu.dynamic_gather %scan3A_343[%gather3A_379] in [0] : vector<16xf32>, vector<16xi32> -> vector<16xf32>
      %mul3A_381 = arith.mulf %gather3A_380, %get3A_49 : vector<16xf32>
      %add3A_382 = arith.addf %mul3A_370, %mul3A_381 : vector<16xf32>
      %swap3A_383 = arith.index_cast %add3A_351 : i32 to index
      %swap3A_384 = arith.constant 32 : index
      %swap3A_385 = tpu.vector_load %arg9[%swap3A_383, %swap3A_384] {strides = array<i32>} : memref<256x128xf32, #tpu.memory_space<vmem>>, vector<1x16xf32>,
      %swap3A_386 = vector.shape_cast %swap3A_385 : vector<1x16xf32> to vector<16xf32>
      %swap3A_387 = vector.shape_cast %scan3A_344 : vector<16xf32> to vector<1x16xf32>
      tpu.vector_store %arg9[%swap3A_383, %swap3A_384], %swap3A_387 {strides = array<i32>} : memref<256x128xf32, #tpu.memory_space<vmem>>, vector<1x16xf32>,
      %mul3A_388 = arith.mulf %scan3A_344, %get3A_28 : vector<16xf32>
      %lt3A_389 = arith.constant 0 : i32
      %lt3A_390 = vector.broadcast %lt3A_389 : i32 to vector<16xi32>
      %lt3A_391 = arith.cmpi slt, %xor3A_20, %lt3A_390 : vector<16xi32>
      %add3A_392 = arith.constant 16 : i32
      %add3A_393 = vector.broadcast %add3A_392 : i32 to vector<16xi32>
      %add3A_394 = arith.addi %xor3A_20, %add3A_393 : vector<16xi32>
      %select_n3A_395 = arith.select %lt3A_391, %add3A_394, %xor3A_20 : vector<16xi1>, vector<16xi32>
      %broadcast_in_dim3A_396 = vector.shape_cast %select_n3A_395 : vector<16xi32> to vector<16x1xi32>
      %gather3A_397 = vector.shape_cast %broadcast_in_dim3A_396 : vector<16x1xi32> to vector<16xi32>
      %gather3A_398 = tpu.dynamic_gather %scan3A_344[%gather3A_397] in [0] : vector<16xf32>, vector<16xi32> -> vector<16xf32>
      %mul3A_399 = arith.mulf %gather3A_398, %get3A_52 : vector<16xf32>
      %add3A_400 = arith.addf %mul3A_388, %mul3A_399 : vector<16xf32>
      %swap3A_401 = arith.index_cast %add3A_351 : i32 to index
      %swap3A_402 = arith.constant 48 : index
      %swap3A_403 = tpu.vector_load %arg9[%swap3A_401, %swap3A_402] {strides = array<i32>} : memref<256x128xf32, #tpu.memory_space<vmem>>, vector<1x16xf32>,
      %swap3A_404 = vector.shape_cast %swap3A_403 : vector<1x16xf32> to vector<16xf32>
      %swap3A_405 = vector.shape_cast %scan3A_345 : vector<16xf32> to vector<1x16xf32>
      tpu.vector_store %arg9[%swap3A_401, %swap3A_402], %swap3A_405 {strides = array<i32>} : memref<256x128xf32, #tpu.memory_space<vmem>>, vector<1x16xf32>,
      %mul3A_406 = arith.mulf %scan3A_345, %get3A_31 : vector<16xf32>
      %lt3A_407 = arith.constant 0 : i32
      %lt3A_408 = vector.broadcast %lt3A_407 : i32 to vector<16xi32>
      %lt3A_409 = arith.cmpi slt, %xor3A_20, %lt3A_408 : vector<16xi32>
      %add3A_410 = arith.constant 16 : i32
      %add3A_411 = vector.broadcast %add3A_410 : i32 to vector<16xi32>
      %add3A_412 = arith.addi %xor3A_20, %add3A_411 : vector<16xi32>
      %select_n3A_413 = arith.select %lt3A_409, %add3A_412, %xor3A_20 : vector<16xi1>, vector<16xi32>
      %broadcast_in_dim3A_414 = vector.shape_cast %select_n3A_413 : vector<16xi32> to vector<16x1xi32>
      %gather3A_415 = vector.shape_cast %broadcast_in_dim3A_414 : vector<16x1xi32> to vector<16xi32>
      %gather3A_416 = tpu.dynamic_gather %scan3A_345[%gather3A_415] in [0] : vector<16xf32>, vector<16xi32> -> vector<16xf32>
      %mul3A_417 = arith.mulf %gather3A_416, %get3A_55 : vector<16xf32>
      %add3A_418 = arith.addf %mul3A_406, %mul3A_417 : vector<16xf32>
      %swap3A_419 = arith.index_cast %add3A_351 : i32 to index
      %swap3A_420 = arith.constant 64 : index
      %swap3A_421 = tpu.vector_load %arg9[%swap3A_419, %swap3A_420] {strides = array<i32>} : memref<256x128xf32, #tpu.memory_space<vmem>>, vector<1x16xf32>,
      %swap3A_422 = vector.shape_cast %swap3A_421 : vector<1x16xf32> to vector<16xf32>
      %swap3A_423 = vector.shape_cast %scan3A_346 : vector<16xf32> to vector<1x16xf32>
      tpu.vector_store %arg9[%swap3A_419, %swap3A_420], %swap3A_423 {strides = array<i32>} : memref<256x128xf32, #tpu.memory_space<vmem>>, vector<1x16xf32>,
      %mul3A_424 = arith.mulf %scan3A_346, %get3A_34 : vector<16xf32>
      %lt3A_425 = arith.constant 0 : i32
      %lt3A_426 = vector.broadcast %lt3A_425 : i32 to vector<16xi32>
      %lt3A_427 = arith.cmpi slt, %xor3A_20, %lt3A_426 : vector<16xi32>
      %add3A_428 = arith.constant 16 : i32
      %add3A_429 = vector.broadcast %add3A_428 : i32 to vector<16xi32>
      %add3A_430 = arith.addi %xor3A_20, %add3A_429 : vector<16xi32>
      %select_n3A_431 = arith.select %lt3A_427, %add3A_430, %xor3A_20 : vector<16xi1>, vector<16xi32>
      %broadcast_in_dim3A_432 = vector.shape_cast %select_n3A_431 : vector<16xi32> to vector<16x1xi32>
      %gather3A_433 = vector.shape_cast %broadcast_in_dim3A_432 : vector<16x1xi32> to vector<16xi32>
      %gather3A_434 = tpu.dynamic_gather %scan3A_346[%gather3A_433] in [0] : vector<16xf32>, vector<16xi32> -> vector<16xf32>
      %mul3A_435 = arith.mulf %gather3A_434, %get3A_58 : vector<16xf32>
      %add3A_436 = arith.addf %mul3A_424, %mul3A_435 : vector<16xf32>
      %swap3A_437 = arith.index_cast %add3A_351 : i32 to index
      %swap3A_438 = arith.constant 80 : index
      %swap3A_439 = tpu.vector_load %arg9[%swap3A_437, %swap3A_438] {strides = array<i32>} : memref<256x128xf32, #tpu.memory_space<vmem>>, vector<1x16xf32>,
      %swap3A_440 = vector.shape_cast %swap3A_439 : vector<1x16xf32> to vector<16xf32>
      %swap3A_441 = vector.shape_cast %scan3A_347 : vector<16xf32> to vector<1x16xf32>
      tpu.vector_store %arg9[%swap3A_437, %swap3A_438], %swap3A_441 {strides = array<i32>} : memref<256x128xf32, #tpu.memory_space<vmem>>, vector<1x16xf32>,
      %mul3A_442 = arith.mulf %scan3A_347, %get3A_37 : vector<16xf32>
      %lt3A_443 = arith.constant 0 : i32
      %lt3A_444 = vector.broadcast %lt3A_443 : i32 to vector<16xi32>
      %lt3A_445 = arith.cmpi slt, %xor3A_20, %lt3A_444 : vector<16xi32>
      %add3A_446 = arith.constant 16 : i32
      %add3A_447 = vector.broadcast %add3A_446 : i32 to vector<16xi32>
      %add3A_448 = arith.addi %xor3A_20, %add3A_447 : vector<16xi32>
      %select_n3A_449 = arith.select %lt3A_445, %add3A_448, %xor3A_20 : vector<16xi1>, vector<16xi32>
      %broadcast_in_dim3A_450 = vector.shape_cast %select_n3A_449 : vector<16xi32> to vector<16x1xi32>
      %gather3A_451 = vector.shape_cast %broadcast_in_dim3A_450 : vector<16x1xi32> to vector<16xi32>
      %gather3A_452 = tpu.dynamic_gather %scan3A_347[%gather3A_451] in [0] : vector<16xf32>, vector<16xi32> -> vector<16xf32>
      %mul3A_453 = arith.mulf %gather3A_452, %get3A_61 : vector<16xf32>
      %add3A_454 = arith.addf %mul3A_442, %mul3A_453 : vector<16xf32>
      %swap3A_455 = arith.index_cast %add3A_351 : i32 to index
      %swap3A_456 = arith.constant 96 : index
      %swap3A_457 = tpu.vector_load %arg9[%swap3A_455, %swap3A_456] {strides = array<i32>} : memref<256x128xf32, #tpu.memory_space<vmem>>, vector<1x16xf32>,
      %swap3A_458 = vector.shape_cast %swap3A_457 : vector<1x16xf32> to vector<16xf32>
      %swap3A_459 = vector.shape_cast %scan3A_348 : vector<16xf32> to vector<1x16xf32>
      tpu.vector_store %arg9[%swap3A_455, %swap3A_456], %swap3A_459 {strides = array<i32>} : memref<256x128xf32, #tpu.memory_space<vmem>>, vector<1x16xf32>,
      %mul3A_460 = arith.mulf %scan3A_348, %get3A_40 : vector<16xf32>
      %lt3A_461 = arith.constant 0 : i32
      %lt3A_462 = vector.broadcast %lt3A_461 : i32 to vector<16xi32>
      %lt3A_463 = arith.cmpi slt, %xor3A_20, %lt3A_462 : vector<16xi32>
      %add3A_464 = arith.constant 16 : i32
      %add3A_465 = vector.broadcast %add3A_464 : i32 to vector<16xi32>
      %add3A_466 = arith.addi %xor3A_20, %add3A_465 : vector<16xi32>
      %select_n3A_467 = arith.select %lt3A_463, %add3A_466, %xor3A_20 : vector<16xi1>, vector<16xi32>
      %broadcast_in_dim3A_468 = vector.shape_cast %select_n3A_467 : vector<16xi32> to vector<16x1xi32>
      %gather3A_469 = vector.shape_cast %broadcast_in_dim3A_468 : vector<16x1xi32> to vector<16xi32>
      %gather3A_470 = tpu.dynamic_gather %scan3A_348[%gather3A_469] in [0] : vector<16xf32>, vector<16xi32> -> vector<16xf32>
      %mul3A_471 = arith.mulf %gather3A_470, %get3A_64 : vector<16xf32>
      %add3A_472 = arith.addf %mul3A_460, %mul3A_471 : vector<16xf32>
      %swap3A_473 = arith.index_cast %add3A_351 : i32 to index
      %swap3A_474 = arith.constant 112 : index
      %swap3A_475 = tpu.vector_load %arg9[%swap3A_473, %swap3A_474] {strides = array<i32>} : memref<256x128xf32, #tpu.memory_space<vmem>>, vector<1x16xf32>,
      %swap3A_476 = vector.shape_cast %swap3A_475 : vector<1x16xf32> to vector<16xf32>
      %swap3A_477 = vector.shape_cast %scan3A_349 : vector<16xf32> to vector<1x16xf32>
      tpu.vector_store %arg9[%swap3A_473, %swap3A_474], %swap3A_477 {strides = array<i32>} : memref<256x128xf32, #tpu.memory_space<vmem>>, vector<1x16xf32>,
      %mul3A_478 = arith.mulf %scan3A_349, %get3A_43 : vector<16xf32>
      %lt3A_479 = arith.constant 0 : i32
      %lt3A_480 = vector.broadcast %lt3A_479 : i32 to vector<16xi32>
      %lt3A_481 = arith.cmpi slt, %xor3A_20, %lt3A_480 : vector<16xi32>
      %add3A_482 = arith.constant 16 : i32
      %add3A_483 = vector.broadcast %add3A_482 : i32 to vector<16xi32>
      %add3A_484 = arith.addi %xor3A_20, %add3A_483 : vector<16xi32>
      %select_n3A_485 = arith.select %lt3A_481, %add3A_484, %xor3A_20 : vector<16xi1>, vector<16xi32>
      %broadcast_in_dim3A_486 = vector.shape_cast %select_n3A_485 : vector<16xi32> to vector<16x1xi32>
      %gather3A_487 = vector.shape_cast %broadcast_in_dim3A_486 : vector<16x1xi32> to vector<16xi32>
      %gather3A_488 = tpu.dynamic_gather %scan3A_349[%gather3A_487] in [0] : vector<16xf32>, vector<16xi32> -> vector<16xf32>
      %mul3A_489 = arith.mulf %gather3A_488, %get3A_67 : vector<16xf32>
      %add3A_490 = arith.addf %mul3A_478, %mul3A_489 : vector<16xf32>
      scf.yield %add3A_364, %add3A_382, %add3A_400, %add3A_418, %add3A_436, %add3A_454, %add3A_472, %add3A_490 : vector<16xf32>, vector<16xf32>, vector<16xf32>, vector<16xf32>, vector<16xf32>, vector<16xf32>, vector<16xf32>, vector<16xf32>
    }
    %scan3A_96 = arith.constant 64 : i32
    %dma_wait3A_97 = tpu.memref_slice %arg2[%mul3A_2] : memref<8192xi32, #tpu.memory_space<hbm>> -> memref<256xi32, #tpu.memory_space<hbm>>
    %dma_wait3A_98 = tpu.memref_slice %arg2[%mul3A_2] : memref<8192xi32, #tpu.memory_space<hbm>> -> memref<256xi32, #tpu.memory_space<hbm>>
    tpu.wait_dma2 semaphore(%arg10 : memref<!tpu.dma_semaphore, #tpu.memory_space<semaphore_mem>>) src(%dma_wait3A_98 : memref<256xi32, #tpu.memory_space<hbm>>) dst(%arg6 : memref<256xi32, #tpu.memory_space<vmem>>)
    %dma_start3A_99 = arith.constant 0 : i32
    %dma_start3A_100 = arith.constant 0 : i32
    %dma_start3A_101 = tpu.memref_slice %arg9[%dma_start3A_99, %dma_start3A_100] : memref<256x128xf32, #tpu.memory_space<vmem>> -> memref<64x128xf32, #tpu.memory_space<vmem>>
    %dma_start3A_102 = arith.constant 0 : i32
    %dma_start3A_103 = tpu.memref_slice %arg6[%dma_start3A_102] : memref<256xi32, #tpu.memory_space<vmem>> -> memref<64xi32, #tpu.memory_space<vmem>>
    %dma_start3A_104 = arith.constant 0 : i32
    %dma_start3A_105 = arith.constant 0 : i32
    %dma_start3A_106 = tpu.memref_slice %arg4[%dma_start3A_104, %dma_start3A_105] : memref<100000x128xf32, #tpu.memory_space<hbm>> -> memref<100000x128xf32, #tpu.memory_space<hbm>>
    tpu.enqueue_indirect_dma source(%dma_start3A_106 : memref<100000x128xf32, #tpu.memory_space<hbm>>) target(%dma_start3A_101 : memref<64x128xf32, #tpu.memory_space<vmem>>) offsets(%dma_start3A_103 : memref<64xi32, #tpu.memory_space<vmem>>) semaphore(%arg12 : memref<!tpu.dma_semaphore, #tpu.memory_space<semaphore_mem>>) {add = true}
    %get3A_107 = arith.constant 128 : index
    %get3A_108 = tpu.vector_load %arg7[%get3A_107] {strides = array<i32>} : memref<512xf32, #tpu.memory_space<vmem>>, vector<16xf32>,
    %get3A_109 = vector.shape_cast %get3A_108 : vector<16xf32> to vector<16xf32>
    %get3A_110 = arith.constant 144 : index
    %get3A_111 = tpu.vector_load %arg7[%get3A_110] {strides = array<i32>} : memref<512xf32, #tpu.memory_space<vmem>>, vector<16xf32>,
    %get3A_112 = vector.shape_cast %get3A_111 : vector<16xf32> to vector<16xf32>
    %get3A_113 = arith.constant 160 : index
    %get3A_114 = tpu.vector_load %arg7[%get3A_113] {strides = array<i32>} : memref<512xf32, #tpu.memory_space<vmem>>, vector<16xf32>,
    %get3A_115 = vector.shape_cast %get3A_114 : vector<16xf32> to vector<16xf32>
    %get3A_116 = arith.constant 176 : index
    %get3A_117 = tpu.vector_load %arg7[%get3A_116] {strides = array<i32>} : memref<512xf32, #tpu.memory_space<vmem>>, vector<16xf32>,
    %get3A_118 = vector.shape_cast %get3A_117 : vector<16xf32> to vector<16xf32>
    %get3A_119 = arith.constant 192 : index
    %get3A_120 = tpu.vector_load %arg7[%get3A_119] {strides = array<i32>} : memref<512xf32, #tpu.memory_space<vmem>>, vector<16xf32>,
    %get3A_121 = vector.shape_cast %get3A_120 : vector<16xf32> to vector<16xf32>
    %get3A_122 = arith.constant 208 : index
    %get3A_123 = tpu.vector_load %arg7[%get3A_122] {strides = array<i32>} : memref<512xf32, #tpu.memory_space<vmem>>, vector<16xf32>,
    %get3A_124 = vector.shape_cast %get3A_123 : vector<16xf32> to vector<16xf32>
    %get3A_125 = arith.constant 224 : index
    %get3A_126 = tpu.vector_load %arg7[%get3A_125] {strides = array<i32>} : memref<512xf32, #tpu.memory_space<vmem>>, vector<16xf32>,
    %get3A_127 = vector.shape_cast %get3A_126 : vector<16xf32> to vector<16xf32>
    %get3A_128 = arith.constant 240 : index
    %get3A_129 = tpu.vector_load %arg7[%get3A_128] {strides = array<i32>} : memref<512xf32, #tpu.memory_space<vmem>>, vector<16xf32>,
    %get3A_130 = vector.shape_cast %get3A_129 : vector<16xf32> to vector<16xf32>
    %scan3A_131 = arith.constant 0 : i32
    %scan3A_132 = arith.constant 64 : i32
    %scan3A_133 = arith.addi %scan3A_131, %scan3A_132 : i32
    %scan3A_134 = arith.constant 1 : i32
    %scan3A_135:8 = scf.for %scan3A_341 = %scan3A_131 to %scan3A_133 step %scan3A_134 iter_args(%scan3A_342 = %get3A_109, %scan3A_343 = %get3A_112, %scan3A_344 = %get3A_115, %scan3A_345 = %get3A_118, %scan3A_346 = %get3A_121, %scan3A_347 = %get3A_124, %scan3A_348 = %get3A_127, %scan3A_349 = %get3A_130) -> (vector<16xf32>, vector<16xf32>, vector<16xf32>, vector<16xf32>, vector<16xf32>, vector<16xf32>, vector<16xf32>, vector<16xf32>)  : i32 {
      %add3A_350 = arith.constant 64 : i32
      %add3A_351 = arith.addi %add3A_350, %scan3A_341 : i32
      %swap3A = arith.index_cast %add3A_351 : i32 to index
      %swap3A_352 = arith.constant 0 : index
      %swap3A_353 = tpu.vector_load %arg9[%swap3A, %swap3A_352] {strides = array<i32>} : memref<256x128xf32, #tpu.memory_space<vmem>>, vector<1x16xf32>,
      %swap3A_354 = vector.shape_cast %swap3A_353 : vector<1x16xf32> to vector<16xf32>
      %swap3A_355 = vector.shape_cast %scan3A_342 : vector<16xf32> to vector<1x16xf32>
      tpu.vector_store %arg9[%swap3A, %swap3A_352], %swap3A_355 {strides = array<i32>} : memref<256x128xf32, #tpu.memory_space<vmem>>, vector<1x16xf32>,
      %mul3A_356 = arith.mulf %scan3A_342, %get3A_22 : vector<16xf32>
      %lt3A = arith.constant 0 : i32
      %lt3A_357 = vector.broadcast %lt3A : i32 to vector<16xi32>
      %lt3A_358 = arith.cmpi slt, %xor3A_20, %lt3A_357 : vector<16xi32>
      %add3A_359 = arith.constant 16 : i32
      %add3A_360 = vector.broadcast %add3A_359 : i32 to vector<16xi32>
      %add3A_361 = arith.addi %xor3A_20, %add3A_360 : vector<16xi32>
      %select_n3A = arith.select %lt3A_358, %add3A_361, %xor3A_20 : vector<16xi1>, vector<16xi32>
      %broadcast_in_dim3A = vector.shape_cast %select_n3A : vector<16xi32> to vector<16x1xi32>
      %gather3A = vector.shape_cast %broadcast_in_dim3A : vector<16x1xi32> to vector<16xi32>
      %gather3A_362 = tpu.dynamic_gather %scan3A_342[%gather3A] in [0] : vector<16xf32>, vector<16xi32> -> vector<16xf32>
      %mul3A_363 = arith.mulf %gather3A_362, %get3A_46 : vector<16xf32>
      %add3A_364 = arith.addf %mul3A_356, %mul3A_363 : vector<16xf32>
      %swap3A_365 = arith.index_cast %add3A_351 : i32 to index
      %swap3A_366 = arith.constant 16 : index
      %swap3A_367 = tpu.vector_load %arg9[%swap3A_365, %swap3A_366] {strides = array<i32>} : memref<256x128xf32, #tpu.memory_space<vmem>>, vector<1x16xf32>,
      %swap3A_368 = vector.shape_cast %swap3A_367 : vector<1x16xf32> to vector<16xf32>
      %swap3A_369 = vector.shape_cast %scan3A_343 : vector<16xf32> to vector<1x16xf32>
      tpu.vector_store %arg9[%swap3A_365, %swap3A_366], %swap3A_369 {strides = array<i32>} : memref<256x128xf32, #tpu.memory_space<vmem>>, vector<1x16xf32>,
      %mul3A_370 = arith.mulf %scan3A_343, %get3A_25 : vector<16xf32>
      %lt3A_371 = arith.constant 0 : i32
      %lt3A_372 = vector.broadcast %lt3A_371 : i32 to vector<16xi32>
      %lt3A_373 = arith.cmpi slt, %xor3A_20, %lt3A_372 : vector<16xi32>
      %add3A_374 = arith.constant 16 : i32
      %add3A_375 = vector.broadcast %add3A_374 : i32 to vector<16xi32>
      %add3A_376 = arith.addi %xor3A_20, %add3A_375 : vector<16xi32>
      %select_n3A_377 = arith.select %lt3A_373, %add3A_376, %xor3A_20 : vector<16xi1>, vector<16xi32>
      %broadcast_in_dim3A_378 = vector.shape_cast %select_n3A_377 : vector<16xi32> to vector<16x1xi32>
      %gather3A_379 = vector.shape_cast %broadcast_in_dim3A_378 : vector<16x1xi32> to vector<16xi32>
      %gather3A_380 = tpu.dynamic_gather %scan3A_343[%gather3A_379] in [0] : vector<16xf32>, vector<16xi32> -> vector<16xf32>
      %mul3A_381 = arith.mulf %gather3A_380, %get3A_49 : vector<16xf32>
      %add3A_382 = arith.addf %mul3A_370, %mul3A_381 : vector<16xf32>
      %swap3A_383 = arith.index_cast %add3A_351 : i32 to index
      %swap3A_384 = arith.constant 32 : index
      %swap3A_385 = tpu.vector_load %arg9[%swap3A_383, %swap3A_384] {strides = array<i32>} : memref<256x128xf32, #tpu.memory_space<vmem>>, vector<1x16xf32>,
      %swap3A_386 = vector.shape_cast %swap3A_385 : vector<1x16xf32> to vector<16xf32>
      %swap3A_387 = vector.shape_cast %scan3A_344 : vector<16xf32> to vector<1x16xf32>
      tpu.vector_store %arg9[%swap3A_383, %swap3A_384], %swap3A_387 {strides = array<i32>} : memref<256x128xf32, #tpu.memory_space<vmem>>, vector<1x16xf32>,
      %mul3A_388 = arith.mulf %scan3A_344, %get3A_28 : vector<16xf32>
      %lt3A_389 = arith.constant 0 : i32
      %lt3A_390 = vector.broadcast %lt3A_389 : i32 to vector<16xi32>
      %lt3A_391 = arith.cmpi slt, %xor3A_20, %lt3A_390 : vector<16xi32>
      %add3A_392 = arith.constant 16 : i32
      %add3A_393 = vector.broadcast %add3A_392 : i32 to vector<16xi32>
      %add3A_394 = arith.addi %xor3A_20, %add3A_393 : vector<16xi32>
      %select_n3A_395 = arith.select %lt3A_391, %add3A_394, %xor3A_20 : vector<16xi1>, vector<16xi32>
      %broadcast_in_dim3A_396 = vector.shape_cast %select_n3A_395 : vector<16xi32> to vector<16x1xi32>
      %gather3A_397 = vector.shape_cast %broadcast_in_dim3A_396 : vector<16x1xi32> to vector<16xi32>
      %gather3A_398 = tpu.dynamic_gather %scan3A_344[%gather3A_397] in [0] : vector<16xf32>, vector<16xi32> -> vector<16xf32>
      %mul3A_399 = arith.mulf %gather3A_398, %get3A_52 : vector<16xf32>
      %add3A_400 = arith.addf %mul3A_388, %mul3A_399 : vector<16xf32>
      %swap3A_401 = arith.index_cast %add3A_351 : i32 to index
      %swap3A_402 = arith.constant 48 : index
      %swap3A_403 = tpu.vector_load %arg9[%swap3A_401, %swap3A_402] {strides = array<i32>} : memref<256x128xf32, #tpu.memory_space<vmem>>, vector<1x16xf32>,
      %swap3A_404 = vector.shape_cast %swap3A_403 : vector<1x16xf32> to vector<16xf32>
      %swap3A_405 = vector.shape_cast %scan3A_345 : vector<16xf32> to vector<1x16xf32>
      tpu.vector_store %arg9[%swap3A_401, %swap3A_402], %swap3A_405 {strides = array<i32>} : memref<256x128xf32, #tpu.memory_space<vmem>>, vector<1x16xf32>,
      %mul3A_406 = arith.mulf %scan3A_345, %get3A_31 : vector<16xf32>
      %lt3A_407 = arith.constant 0 : i32
      %lt3A_408 = vector.broadcast %lt3A_407 : i32 to vector<16xi32>
      %lt3A_409 = arith.cmpi slt, %xor3A_20, %lt3A_408 : vector<16xi32>
      %add3A_410 = arith.constant 16 : i32
      %add3A_411 = vector.broadcast %add3A_410 : i32 to vector<16xi32>
      %add3A_412 = arith.addi %xor3A_20, %add3A_411 : vector<16xi32>
      %select_n3A_413 = arith.select %lt3A_409, %add3A_412, %xor3A_20 : vector<16xi1>, vector<16xi32>
      %broadcast_in_dim3A_414 = vector.shape_cast %select_n3A_413 : vector<16xi32> to vector<16x1xi32>
      %gather3A_415 = vector.shape_cast %broadcast_in_dim3A_414 : vector<16x1xi32> to vector<16xi32>
      %gather3A_416 = tpu.dynamic_gather %scan3A_345[%gather3A_415] in [0] : vector<16xf32>, vector<16xi32> -> vector<16xf32>
      %mul3A_417 = arith.mulf %gather3A_416, %get3A_55 : vector<16xf32>
      %add3A_418 = arith.addf %mul3A_406, %mul3A_417 : vector<16xf32>
      %swap3A_419 = arith.index_cast %add3A_351 : i32 to index
      %swap3A_420 = arith.constant 64 : index
      %swap3A_421 = tpu.vector_load %arg9[%swap3A_419, %swap3A_420] {strides = array<i32>} : memref<256x128xf32, #tpu.memory_space<vmem>>, vector<1x16xf32>,
      %swap3A_422 = vector.shape_cast %swap3A_421 : vector<1x16xf32> to vector<16xf32>
      %swap3A_423 = vector.shape_cast %scan3A_346 : vector<16xf32> to vector<1x16xf32>
      tpu.vector_store %arg9[%swap3A_419, %swap3A_420], %swap3A_423 {strides = array<i32>} : memref<256x128xf32, #tpu.memory_space<vmem>>, vector<1x16xf32>,
      %mul3A_424 = arith.mulf %scan3A_346, %get3A_34 : vector<16xf32>
      %lt3A_425 = arith.constant 0 : i32
      %lt3A_426 = vector.broadcast %lt3A_425 : i32 to vector<16xi32>
      %lt3A_427 = arith.cmpi slt, %xor3A_20, %lt3A_426 : vector<16xi32>
      %add3A_428 = arith.constant 16 : i32
      %add3A_429 = vector.broadcast %add3A_428 : i32 to vector<16xi32>
      %add3A_430 = arith.addi %xor3A_20, %add3A_429 : vector<16xi32>
      %select_n3A_431 = arith.select %lt3A_427, %add3A_430, %xor3A_20 : vector<16xi1>, vector<16xi32>
      %broadcast_in_dim3A_432 = vector.shape_cast %select_n3A_431 : vector<16xi32> to vector<16x1xi32>
      %gather3A_433 = vector.shape_cast %broadcast_in_dim3A_432 : vector<16x1xi32> to vector<16xi32>
      %gather3A_434 = tpu.dynamic_gather %scan3A_346[%gather3A_433] in [0] : vector<16xf32>, vector<16xi32> -> vector<16xf32>
      %mul3A_435 = arith.mulf %gather3A_434, %get3A_58 : vector<16xf32>
      %add3A_436 = arith.addf %mul3A_424, %mul3A_435 : vector<16xf32>
      %swap3A_437 = arith.index_cast %add3A_351 : i32 to index
      %swap3A_438 = arith.constant 80 : index
      %swap3A_439 = tpu.vector_load %arg9[%swap3A_437, %swap3A_438] {strides = array<i32>} : memref<256x128xf32, #tpu.memory_space<vmem>>, vector<1x16xf32>,
      %swap3A_440 = vector.shape_cast %swap3A_439 : vector<1x16xf32> to vector<16xf32>
      %swap3A_441 = vector.shape_cast %scan3A_347 : vector<16xf32> to vector<1x16xf32>
      tpu.vector_store %arg9[%swap3A_437, %swap3A_438], %swap3A_441 {strides = array<i32>} : memref<256x128xf32, #tpu.memory_space<vmem>>, vector<1x16xf32>,
      %mul3A_442 = arith.mulf %scan3A_347, %get3A_37 : vector<16xf32>
      %lt3A_443 = arith.constant 0 : i32
      %lt3A_444 = vector.broadcast %lt3A_443 : i32 to vector<16xi32>
      %lt3A_445 = arith.cmpi slt, %xor3A_20, %lt3A_444 : vector<16xi32>
      %add3A_446 = arith.constant 16 : i32
      %add3A_447 = vector.broadcast %add3A_446 : i32 to vector<16xi32>
      %add3A_448 = arith.addi %xor3A_20, %add3A_447 : vector<16xi32>
      %select_n3A_449 = arith.select %lt3A_445, %add3A_448, %xor3A_20 : vector<16xi1>, vector<16xi32>
      %broadcast_in_dim3A_450 = vector.shape_cast %select_n3A_449 : vector<16xi32> to vector<16x1xi32>
      %gather3A_451 = vector.shape_cast %broadcast_in_dim3A_450 : vector<16x1xi32> to vector<16xi32>
      %gather3A_452 = tpu.dynamic_gather %scan3A_347[%gather3A_451] in [0] : vector<16xf32>, vector<16xi32> -> vector<16xf32>
      %mul3A_453 = arith.mulf %gather3A_452, %get3A_61 : vector<16xf32>
      %add3A_454 = arith.addf %mul3A_442, %mul3A_453 : vector<16xf32>
      %swap3A_455 = arith.index_cast %add3A_351 : i32 to index
      %swap3A_456 = arith.constant 96 : index
      %swap3A_457 = tpu.vector_load %arg9[%swap3A_455, %swap3A_456] {strides = array<i32>} : memref<256x128xf32, #tpu.memory_space<vmem>>, vector<1x16xf32>,
      %swap3A_458 = vector.shape_cast %swap3A_457 : vector<1x16xf32> to vector<16xf32>
      %swap3A_459 = vector.shape_cast %scan3A_348 : vector<16xf32> to vector<1x16xf32>
      tpu.vector_store %arg9[%swap3A_455, %swap3A_456], %swap3A_459 {strides = array<i32>} : memref<256x128xf32, #tpu.memory_space<vmem>>, vector<1x16xf32>,
      %mul3A_460 = arith.mulf %scan3A_348, %get3A_40 : vector<16xf32>
      %lt3A_461 = arith.constant 0 : i32
      %lt3A_462 = vector.broadcast %lt3A_461 : i32 to vector<16xi32>
      %lt3A_463 = arith.cmpi slt, %xor3A_20, %lt3A_462 : vector<16xi32>
      %add3A_464 = arith.constant 16 : i32
      %add3A_465 = vector.broadcast %add3A_464 : i32 to vector<16xi32>
      %add3A_466 = arith.addi %xor3A_20, %add3A_465 : vector<16xi32>
      %select_n3A_467 = arith.select %lt3A_463, %add3A_466, %xor3A_20 : vector<16xi1>, vector<16xi32>
      %broadcast_in_dim3A_468 = vector.shape_cast %select_n3A_467 : vector<16xi32> to vector<16x1xi32>
      %gather3A_469 = vector.shape_cast %broadcast_in_dim3A_468 : vector<16x1xi32> to vector<16xi32>
      %gather3A_470 = tpu.dynamic_gather %scan3A_348[%gather3A_469] in [0] : vector<16xf32>, vector<16xi32> -> vector<16xf32>
      %mul3A_471 = arith.mulf %gather3A_470, %get3A_64 : vector<16xf32>
      %add3A_472 = arith.addf %mul3A_460, %mul3A_471 : vector<16xf32>
      %swap3A_473 = arith.index_cast %add3A_351 : i32 to index
      %swap3A_474 = arith.constant 112 : index
      %swap3A_475 = tpu.vector_load %arg9[%swap3A_473, %swap3A_474] {strides = array<i32>} : memref<256x128xf32, #tpu.memory_space<vmem>>, vector<1x16xf32>,
      %swap3A_476 = vector.shape_cast %swap3A_475 : vector<1x16xf32> to vector<16xf32>
      %swap3A_477 = vector.shape_cast %scan3A_349 : vector<16xf32> to vector<1x16xf32>
      tpu.vector_store %arg9[%swap3A_473, %swap3A_474], %swap3A_477 {strides = array<i32>} : memref<256x128xf32, #tpu.memory_space<vmem>>, vector<1x16xf32>,
      %mul3A_478 = arith.mulf %scan3A_349, %get3A_43 : vector<16xf32>
      %lt3A_479 = arith.constant 0 : i32
      %lt3A_480 = vector.broadcast %lt3A_479 : i32 to vector<16xi32>
      %lt3A_481 = arith.cmpi slt, %xor3A_20, %lt3A_480 : vector<16xi32>
      %add3A_482 = arith.constant 16 : i32
      %add3A_483 = vector.broadcast %add3A_482 : i32 to vector<16xi32>
      %add3A_484 = arith.addi %xor3A_20, %add3A_483 : vector<16xi32>
      %select_n3A_485 = arith.select %lt3A_481, %add3A_484, %xor3A_20 : vector<16xi1>, vector<16xi32>
      %broadcast_in_dim3A_486 = vector.shape_cast %select_n3A_485 : vector<16xi32> to vector<16x1xi32>
      %gather3A_487 = vector.shape_cast %broadcast_in_dim3A_486 : vector<16x1xi32> to vector<16xi32>
      %gather3A_488 = tpu.dynamic_gather %scan3A_349[%gather3A_487] in [0] : vector<16xf32>, vector<16xi32> -> vector<16xf32>
      %mul3A_489 = arith.mulf %gather3A_488, %get3A_67 : vector<16xf32>
      %add3A_490 = arith.addf %mul3A_478, %mul3A_489 : vector<16xf32>
      scf.yield %add3A_364, %add3A_382, %add3A_400, %add3A_418, %add3A_436, %add3A_454, %add3A_472, %add3A_490 : vector<16xf32>, vector<16xf32>, vector<16xf32>, vector<16xf32>, vector<16xf32>, vector<16xf32>, vector<16xf32>, vector<16xf32>
    }
    %scan3A_136 = arith.constant 64 : i32
    %dma_start3A_137 = arith.constant 64 : i32
    %dma_start3A_138 = arith.constant 0 : i32
    %dma_start3A_139 = tpu.memref_slice %arg9[%dma_start3A_137, %dma_start3A_138] : memref<256x128xf32, #tpu.memory_space<vmem>> -> memref<64x128xf32, #tpu.memory_space<vmem>>
    %dma_start3A_140 = arith.constant 64 : i32
    %dma_start3A_141 = tpu.memref_slice %arg6[%dma_start3A_140] : memref<256xi32, #tpu.memory_space<vmem>> -> memref<64xi32, #tpu.memory_space<vmem>>
    %dma_start3A_142 = arith.constant 0 : i32
    %dma_start3A_143 = arith.constant 0 : i32
    %dma_start3A_144 = tpu.memref_slice %arg4[%dma_start3A_142, %dma_start3A_143] : memref<100000x128xf32, #tpu.memory_space<hbm>> -> memref<100000x128xf32, #tpu.memory_space<hbm>>
    tpu.enqueue_indirect_dma source(%dma_start3A_144 : memref<100000x128xf32, #tpu.memory_space<hbm>>) target(%dma_start3A_139 : memref<64x128xf32, #tpu.memory_space<vmem>>) offsets(%dma_start3A_141 : memref<64xi32, #tpu.memory_space<vmem>>) semaphore(%arg13 : memref<!tpu.dma_semaphore, #tpu.memory_space<semaphore_mem>>) {add = true}
    %get3A_145 = arith.constant 256 : index
    %get3A_146 = tpu.vector_load %arg7[%get3A_145] {strides = array<i32>} : memref<512xf32, #tpu.memory_space<vmem>>, vector<16xf32>,
    %get3A_147 = vector.shape_cast %get3A_146 : vector<16xf32> to vector<16xf32>
    %get3A_148 = arith.constant 272 : index
    %get3A_149 = tpu.vector_load %arg7[%get3A_148] {strides = array<i32>} : memref<512xf32, #tpu.memory_space<vmem>>, vector<16xf32>,
    %get3A_150 = vector.shape_cast %get3A_149 : vector<16xf32> to vector<16xf32>
    %get3A_151 = arith.constant 288 : index
    %get3A_152 = tpu.vector_load %arg7[%get3A_151] {strides = array<i32>} : memref<512xf32, #tpu.memory_space<vmem>>, vector<16xf32>,
    %get3A_153 = vector.shape_cast %get3A_152 : vector<16xf32> to vector<16xf32>
    %get3A_154 = arith.constant 304 : index
    %get3A_155 = tpu.vector_load %arg7[%get3A_154] {strides = array<i32>} : memref<512xf32, #tpu.memory_space<vmem>>, vector<16xf32>,
    %get3A_156 = vector.shape_cast %get3A_155 : vector<16xf32> to vector<16xf32>
    %get3A_157 = arith.constant 320 : index
    %get3A_158 = tpu.vector_load %arg7[%get3A_157] {strides = array<i32>} : memref<512xf32, #tpu.memory_space<vmem>>, vector<16xf32>,
    %get3A_159 = vector.shape_cast %get3A_158 : vector<16xf32> to vector<16xf32>
    %get3A_160 = arith.constant 336 : index
    %get3A_161 = tpu.vector_load %arg7[%get3A_160] {strides = array<i32>} : memref<512xf32, #tpu.memory_space<vmem>>, vector<16xf32>,
    %get3A_162 = vector.shape_cast %get3A_161 : vector<16xf32> to vector<16xf32>
    %get3A_163 = arith.constant 352 : index
    %get3A_164 = tpu.vector_load %arg7[%get3A_163] {strides = array<i32>} : memref<512xf32, #tpu.memory_space<vmem>>, vector<16xf32>,
    %get3A_165 = vector.shape_cast %get3A_164 : vector<16xf32> to vector<16xf32>
    %get3A_166 = arith.constant 368 : index
    %get3A_167 = tpu.vector_load %arg7[%get3A_166] {strides = array<i32>} : memref<512xf32, #tpu.memory_space<vmem>>, vector<16xf32>,
    %get3A_168 = vector.shape_cast %get3A_167 : vector<16xf32> to vector<16xf32>
    %scan3A_169 = arith.constant 0 : i32
    %scan3A_170 = arith.constant 64 : i32
    %scan3A_171 = arith.addi %scan3A_169, %scan3A_170 : i32
    %scan3A_172 = arith.constant 1 : i32
    %scan3A_173:8 = scf.for %scan3A_341 = %scan3A_169 to %scan3A_171 step %scan3A_172 iter_args(%scan3A_342 = %get3A_147, %scan3A_343 = %get3A_150, %scan3A_344 = %get3A_153, %scan3A_345 = %get3A_156, %scan3A_346 = %get3A_159, %scan3A_347 = %get3A_162, %scan3A_348 = %get3A_165, %scan3A_349 = %get3A_168) -> (vector<16xf32>, vector<16xf32>, vector<16xf32>, vector<16xf32>, vector<16xf32>, vector<16xf32>, vector<16xf32>, vector<16xf32>)  : i32 {
      %add3A_350 = arith.constant 128 : i32
      %add3A_351 = arith.addi %add3A_350, %scan3A_341 : i32
      %swap3A = arith.index_cast %add3A_351 : i32 to index
      %swap3A_352 = arith.constant 0 : index
      %swap3A_353 = tpu.vector_load %arg9[%swap3A, %swap3A_352] {strides = array<i32>} : memref<256x128xf32, #tpu.memory_space<vmem>>, vector<1x16xf32>,
      %swap3A_354 = vector.shape_cast %swap3A_353 : vector<1x16xf32> to vector<16xf32>
      %swap3A_355 = vector.shape_cast %scan3A_342 : vector<16xf32> to vector<1x16xf32>
      tpu.vector_store %arg9[%swap3A, %swap3A_352], %swap3A_355 {strides = array<i32>} : memref<256x128xf32, #tpu.memory_space<vmem>>, vector<1x16xf32>,
      %mul3A_356 = arith.mulf %scan3A_342, %get3A_22 : vector<16xf32>
      %lt3A = arith.constant 0 : i32
      %lt3A_357 = vector.broadcast %lt3A : i32 to vector<16xi32>
      %lt3A_358 = arith.cmpi slt, %xor3A_20, %lt3A_357 : vector<16xi32>
      %add3A_359 = arith.constant 16 : i32
      %add3A_360 = vector.broadcast %add3A_359 : i32 to vector<16xi32>
      %add3A_361 = arith.addi %xor3A_20, %add3A_360 : vector<16xi32>
      %select_n3A = arith.select %lt3A_358, %add3A_361, %xor3A_20 : vector<16xi1>, vector<16xi32>
      %broadcast_in_dim3A = vector.shape_cast %select_n3A : vector<16xi32> to vector<16x1xi32>
      %gather3A = vector.shape_cast %broadcast_in_dim3A : vector<16x1xi32> to vector<16xi32>
      %gather3A_362 = tpu.dynamic_gather %scan3A_342[%gather3A] in [0] : vector<16xf32>, vector<16xi32> -> vector<16xf32>
      %mul3A_363 = arith.mulf %gather3A_362, %get3A_46 : vector<16xf32>
      %add3A_364 = arith.addf %mul3A_356, %mul3A_363 : vector<16xf32>
      %swap3A_365 = arith.index_cast %add3A_351 : i32 to index
      %swap3A_366 = arith.constant 16 : index
      %swap3A_367 = tpu.vector_load %arg9[%swap3A_365, %swap3A_366] {strides = array<i32>} : memref<256x128xf32, #tpu.memory_space<vmem>>, vector<1x16xf32>,
      %swap3A_368 = vector.shape_cast %swap3A_367 : vector<1x16xf32> to vector<16xf32>
      %swap3A_369 = vector.shape_cast %scan3A_343 : vector<16xf32> to vector<1x16xf32>
      tpu.vector_store %arg9[%swap3A_365, %swap3A_366], %swap3A_369 {strides = array<i32>} : memref<256x128xf32, #tpu.memory_space<vmem>>, vector<1x16xf32>,
      %mul3A_370 = arith.mulf %scan3A_343, %get3A_25 : vector<16xf32>
      %lt3A_371 = arith.constant 0 : i32
      %lt3A_372 = vector.broadcast %lt3A_371 : i32 to vector<16xi32>
      %lt3A_373 = arith.cmpi slt, %xor3A_20, %lt3A_372 : vector<16xi32>
      %add3A_374 = arith.constant 16 : i32
      %add3A_375 = vector.broadcast %add3A_374 : i32 to vector<16xi32>
      %add3A_376 = arith.addi %xor3A_20, %add3A_375 : vector<16xi32>
      %select_n3A_377 = arith.select %lt3A_373, %add3A_376, %xor3A_20 : vector<16xi1>, vector<16xi32>
      %broadcast_in_dim3A_378 = vector.shape_cast %select_n3A_377 : vector<16xi32> to vector<16x1xi32>
      %gather3A_379 = vector.shape_cast %broadcast_in_dim3A_378 : vector<16x1xi32> to vector<16xi32>
      %gather3A_380 = tpu.dynamic_gather %scan3A_343[%gather3A_379] in [0] : vector<16xf32>, vector<16xi32> -> vector<16xf32>
      %mul3A_381 = arith.mulf %gather3A_380, %get3A_49 : vector<16xf32>
      %add3A_382 = arith.addf %mul3A_370, %mul3A_381 : vector<16xf32>
      %swap3A_383 = arith.index_cast %add3A_351 : i32 to index
      %swap3A_384 = arith.constant 32 : index
      %swap3A_385 = tpu.vector_load %arg9[%swap3A_383, %swap3A_384] {strides = array<i32>} : memref<256x128xf32, #tpu.memory_space<vmem>>, vector<1x16xf32>,
      %swap3A_386 = vector.shape_cast %swap3A_385 : vector<1x16xf32> to vector<16xf32>
      %swap3A_387 = vector.shape_cast %scan3A_344 : vector<16xf32> to vector<1x16xf32>
      tpu.vector_store %arg9[%swap3A_383, %swap3A_384], %swap3A_387 {strides = array<i32>} : memref<256x128xf32, #tpu.memory_space<vmem>>, vector<1x16xf32>,
      %mul3A_388 = arith.mulf %scan3A_344, %get3A_28 : vector<16xf32>
      %lt3A_389 = arith.constant 0 : i32
      %lt3A_390 = vector.broadcast %lt3A_389 : i32 to vector<16xi32>
      %lt3A_391 = arith.cmpi slt, %xor3A_20, %lt3A_390 : vector<16xi32>
      %add3A_392 = arith.constant 16 : i32
      %add3A_393 = vector.broadcast %add3A_392 : i32 to vector<16xi32>
      %add3A_394 = arith.addi %xor3A_20, %add3A_393 : vector<16xi32>
      %select_n3A_395 = arith.select %lt3A_391, %add3A_394, %xor3A_20 : vector<16xi1>, vector<16xi32>
      %broadcast_in_dim3A_396 = vector.shape_cast %select_n3A_395 : vector<16xi32> to vector<16x1xi32>
      %gather3A_397 = vector.shape_cast %broadcast_in_dim3A_396 : vector<16x1xi32> to vector<16xi32>
      %gather3A_398 = tpu.dynamic_gather %scan3A_344[%gather3A_397] in [0] : vector<16xf32>, vector<16xi32> -> vector<16xf32>
      %mul3A_399 = arith.mulf %gather3A_398, %get3A_52 : vector<16xf32>
      %add3A_400 = arith.addf %mul3A_388, %mul3A_399 : vector<16xf32>
      %swap3A_401 = arith.index_cast %add3A_351 : i32 to index
      %swap3A_402 = arith.constant 48 : index
      %swap3A_403 = tpu.vector_load %arg9[%swap3A_401, %swap3A_402] {strides = array<i32>} : memref<256x128xf32, #tpu.memory_space<vmem>>, vector<1x16xf32>,
      %swap3A_404 = vector.shape_cast %swap3A_403 : vector<1x16xf32> to vector<16xf32>
      %swap3A_405 = vector.shape_cast %scan3A_345 : vector<16xf32> to vector<1x16xf32>
      tpu.vector_store %arg9[%swap3A_401, %swap3A_402], %swap3A_405 {strides = array<i32>} : memref<256x128xf32, #tpu.memory_space<vmem>>, vector<1x16xf32>,
      %mul3A_406 = arith.mulf %scan3A_345, %get3A_31 : vector<16xf32>
      %lt3A_407 = arith.constant 0 : i32
      %lt3A_408 = vector.broadcast %lt3A_407 : i32 to vector<16xi32>
      %lt3A_409 = arith.cmpi slt, %xor3A_20, %lt3A_408 : vector<16xi32>
      %add3A_410 = arith.constant 16 : i32
      %add3A_411 = vector.broadcast %add3A_410 : i32 to vector<16xi32>
      %add3A_412 = arith.addi %xor3A_20, %add3A_411 : vector<16xi32>
      %select_n3A_413 = arith.select %lt3A_409, %add3A_412, %xor3A_20 : vector<16xi1>, vector<16xi32>
      %broadcast_in_dim3A_414 = vector.shape_cast %select_n3A_413 : vector<16xi32> to vector<16x1xi32>
      %gather3A_415 = vector.shape_cast %broadcast_in_dim3A_414 : vector<16x1xi32> to vector<16xi32>
      %gather3A_416 = tpu.dynamic_gather %scan3A_345[%gather3A_415] in [0] : vector<16xf32>, vector<16xi32> -> vector<16xf32>
      %mul3A_417 = arith.mulf %gather3A_416, %get3A_55 : vector<16xf32>
      %add3A_418 = arith.addf %mul3A_406, %mul3A_417 : vector<16xf32>
      %swap3A_419 = arith.index_cast %add3A_351 : i32 to index
      %swap3A_420 = arith.constant 64 : index
      %swap3A_421 = tpu.vector_load %arg9[%swap3A_419, %swap3A_420] {strides = array<i32>} : memref<256x128xf32, #tpu.memory_space<vmem>>, vector<1x16xf32>,
      %swap3A_422 = vector.shape_cast %swap3A_421 : vector<1x16xf32> to vector<16xf32>
      %swap3A_423 = vector.shape_cast %scan3A_346 : vector<16xf32> to vector<1x16xf32>
      tpu.vector_store %arg9[%swap3A_419, %swap3A_420], %swap3A_423 {strides = array<i32>} : memref<256x128xf32, #tpu.memory_space<vmem>>, vector<1x16xf32>,
      %mul3A_424 = arith.mulf %scan3A_346, %get3A_34 : vector<16xf32>
      %lt3A_425 = arith.constant 0 : i32
      %lt3A_426 = vector.broadcast %lt3A_425 : i32 to vector<16xi32>
      %lt3A_427 = arith.cmpi slt, %xor3A_20, %lt3A_426 : vector<16xi32>
      %add3A_428 = arith.constant 16 : i32
      %add3A_429 = vector.broadcast %add3A_428 : i32 to vector<16xi32>
      %add3A_430 = arith.addi %xor3A_20, %add3A_429 : vector<16xi32>
      %select_n3A_431 = arith.select %lt3A_427, %add3A_430, %xor3A_20 : vector<16xi1>, vector<16xi32>
      %broadcast_in_dim3A_432 = vector.shape_cast %select_n3A_431 : vector<16xi32> to vector<16x1xi32>
      %gather3A_433 = vector.shape_cast %broadcast_in_dim3A_432 : vector<16x1xi32> to vector<16xi32>
      %gather3A_434 = tpu.dynamic_gather %scan3A_346[%gather3A_433] in [0] : vector<16xf32>, vector<16xi32> -> vector<16xf32>
      %mul3A_435 = arith.mulf %gather3A_434, %get3A_58 : vector<16xf32>
      %add3A_436 = arith.addf %mul3A_424, %mul3A_435 : vector<16xf32>
      %swap3A_437 = arith.index_cast %add3A_351 : i32 to index
      %swap3A_438 = arith.constant 80 : index
      %swap3A_439 = tpu.vector_load %arg9[%swap3A_437, %swap3A_438] {strides = array<i32>} : memref<256x128xf32, #tpu.memory_space<vmem>>, vector<1x16xf32>,
      %swap3A_440 = vector.shape_cast %swap3A_439 : vector<1x16xf32> to vector<16xf32>
      %swap3A_441 = vector.shape_cast %scan3A_347 : vector<16xf32> to vector<1x16xf32>
      tpu.vector_store %arg9[%swap3A_437, %swap3A_438], %swap3A_441 {strides = array<i32>} : memref<256x128xf32, #tpu.memory_space<vmem>>, vector<1x16xf32>,
      %mul3A_442 = arith.mulf %scan3A_347, %get3A_37 : vector<16xf32>
      %lt3A_443 = arith.constant 0 : i32
      %lt3A_444 = vector.broadcast %lt3A_443 : i32 to vector<16xi32>
      %lt3A_445 = arith.cmpi slt, %xor3A_20, %lt3A_444 : vector<16xi32>
      %add3A_446 = arith.constant 16 : i32
      %add3A_447 = vector.broadcast %add3A_446 : i32 to vector<16xi32>
      %add3A_448 = arith.addi %xor3A_20, %add3A_447 : vector<16xi32>
      %select_n3A_449 = arith.select %lt3A_445, %add3A_448, %xor3A_20 : vector<16xi1>, vector<16xi32>
      %broadcast_in_dim3A_450 = vector.shape_cast %select_n3A_449 : vector<16xi32> to vector<16x1xi32>
      %gather3A_451 = vector.shape_cast %broadcast_in_dim3A_450 : vector<16x1xi32> to vector<16xi32>
      %gather3A_452 = tpu.dynamic_gather %scan3A_347[%gather3A_451] in [0] : vector<16xf32>, vector<16xi32> -> vector<16xf32>
      %mul3A_453 = arith.mulf %gather3A_452, %get3A_61 : vector<16xf32>
      %add3A_454 = arith.addf %mul3A_442, %mul3A_453 : vector<16xf32>
      %swap3A_455 = arith.index_cast %add3A_351 : i32 to index
      %swap3A_456 = arith.constant 96 : index
      %swap3A_457 = tpu.vector_load %arg9[%swap3A_455, %swap3A_456] {strides = array<i32>} : memref<256x128xf32, #tpu.memory_space<vmem>>, vector<1x16xf32>,
      %swap3A_458 = vector.shape_cast %swap3A_457 : vector<1x16xf32> to vector<16xf32>
      %swap3A_459 = vector.shape_cast %scan3A_348 : vector<16xf32> to vector<1x16xf32>
      tpu.vector_store %arg9[%swap3A_455, %swap3A_456], %swap3A_459 {strides = array<i32>} : memref<256x128xf32, #tpu.memory_space<vmem>>, vector<1x16xf32>,
      %mul3A_460 = arith.mulf %scan3A_348, %get3A_40 : vector<16xf32>
      %lt3A_461 = arith.constant 0 : i32
      %lt3A_462 = vector.broadcast %lt3A_461 : i32 to vector<16xi32>
      %lt3A_463 = arith.cmpi slt, %xor3A_20, %lt3A_462 : vector<16xi32>
      %add3A_464 = arith.constant 16 : i32
      %add3A_465 = vector.broadcast %add3A_464 : i32 to vector<16xi32>
      %add3A_466 = arith.addi %xor3A_20, %add3A_465 : vector<16xi32>
      %select_n3A_467 = arith.select %lt3A_463, %add3A_466, %xor3A_20 : vector<16xi1>, vector<16xi32>
      %broadcast_in_dim3A_468 = vector.shape_cast %select_n3A_467 : vector<16xi32> to vector<16x1xi32>
      %gather3A_469 = vector.shape_cast %broadcast_in_dim3A_468 : vector<16x1xi32> to vector<16xi32>
      %gather3A_470 = tpu.dynamic_gather %scan3A_348[%gather3A_469] in [0] : vector<16xf32>, vector<16xi32> -> vector<16xf32>
      %mul3A_471 = arith.mulf %gather3A_470, %get3A_64 : vector<16xf32>
      %add3A_472 = arith.addf %mul3A_460, %mul3A_471 : vector<16xf32>
      %swap3A_473 = arith.index_cast %add3A_351 : i32 to index
      %swap3A_474 = arith.constant 112 : index
      %swap3A_475 = tpu.vector_load %arg9[%swap3A_473, %swap3A_474] {strides = array<i32>} : memref<256x128xf32, #tpu.memory_space<vmem>>, vector<1x16xf32>,
      %swap3A_476 = vector.shape_cast %swap3A_475 : vector<1x16xf32> to vector<16xf32>
      %swap3A_477 = vector.shape_cast %scan3A_349 : vector<16xf32> to vector<1x16xf32>
      tpu.vector_store %arg9[%swap3A_473, %swap3A_474], %swap3A_477 {strides = array<i32>} : memref<256x128xf32, #tpu.memory_space<vmem>>, vector<1x16xf32>,
      %mul3A_478 = arith.mulf %scan3A_349, %get3A_43 : vector<16xf32>
      %lt3A_479 = arith.constant 0 : i32
      %lt3A_480 = vector.broadcast %lt3A_479 : i32 to vector<16xi32>
      %lt3A_481 = arith.cmpi slt, %xor3A_20, %lt3A_480 : vector<16xi32>
      %add3A_482 = arith.constant 16 : i32
      %add3A_483 = vector.broadcast %add3A_482 : i32 to vector<16xi32>
      %add3A_484 = arith.addi %xor3A_20, %add3A_483 : vector<16xi32>
      %select_n3A_485 = arith.select %lt3A_481, %add3A_484, %xor3A_20 : vector<16xi1>, vector<16xi32>
      %broadcast_in_dim3A_486 = vector.shape_cast %select_n3A_485 : vector<16xi32> to vector<16x1xi32>
      %gather3A_487 = vector.shape_cast %broadcast_in_dim3A_486 : vector<16x1xi32> to vector<16xi32>
      %gather3A_488 = tpu.dynamic_gather %scan3A_349[%gather3A_487] in [0] : vector<16xf32>, vector<16xi32> -> vector<16xf32>
      %mul3A_489 = arith.mulf %gather3A_488, %get3A_67 : vector<16xf32>
      %add3A_490 = arith.addf %mul3A_478, %mul3A_489 : vector<16xf32>
      scf.yield %add3A_364, %add3A_382, %add3A_400, %add3A_418, %add3A_436, %add3A_454, %add3A_472, %add3A_490 : vector<16xf32>, vector<16xf32>, vector<16xf32>, vector<16xf32>, vector<16xf32>, vector<16xf32>, vector<16xf32>, vector<16xf32>
    }
    %scan3A_174 = arith.constant 64 : i32
    %dma_start3A_175 = arith.constant 128 : i32
    %dma_start3A_176 = arith.constant 0 : i32
    %dma_start3A_177 = tpu.memref_slice %arg9[%dma_start3A_175, %dma_start3A_176] : memref<256x128xf32, #tpu.memory_space<vmem>> -> memref<64x128xf32, #tpu.memory_space<vmem>>
    %dma_start3A_178 = arith.constant 128 : i32
    %dma_start3A_179 = tpu.memref_slice %arg6[%dma_start3A_178] : memref<256xi32, #tpu.memory_space<vmem>> -> memref<64xi32, #tpu.memory_space<vmem>>
    %dma_start3A_180 = arith.constant 0 : i32
    %dma_start3A_181 = arith.constant 0 : i32
    %dma_start3A_182 = tpu.memref_slice %arg4[%dma_start3A_180, %dma_start3A_181] : memref<100000x128xf32, #tpu.memory_space<hbm>> -> memref<100000x128xf32, #tpu.memory_space<hbm>>
    tpu.enqueue_indirect_dma source(%dma_start3A_182 : memref<100000x128xf32, #tpu.memory_space<hbm>>) target(%dma_start3A_177 : memref<64x128xf32, #tpu.memory_space<vmem>>) offsets(%dma_start3A_179 : memref<64xi32, #tpu.memory_space<vmem>>) semaphore(%arg14 : memref<!tpu.dma_semaphore, #tpu.memory_space<semaphore_mem>>) {add = true}
    %get3A_183 = arith.constant 384 : index
    %get3A_184 = tpu.vector_load %arg7[%get3A_183] {strides = array<i32>} : memref<512xf32, #tpu.memory_space<vmem>>, vector<16xf32>,
    %get3A_185 = vector.shape_cast %get3A_184 : vector<16xf32> to vector<16xf32>
    %get3A_186 = arith.constant 400 : index
    %get3A_187 = tpu.vector_load %arg7[%get3A_186] {strides = array<i32>} : memref<512xf32, #tpu.memory_space<vmem>>, vector<16xf32>,
    %get3A_188 = vector.shape_cast %get3A_187 : vector<16xf32> to vector<16xf32>
    %get3A_189 = arith.constant 416 : index
    %get3A_190 = tpu.vector_load %arg7[%get3A_189] {strides = array<i32>} : memref<512xf32, #tpu.memory_space<vmem>>, vector<16xf32>,
    %get3A_191 = vector.shape_cast %get3A_190 : vector<16xf32> to vector<16xf32>
    %get3A_192 = arith.constant 432 : index
    %get3A_193 = tpu.vector_load %arg7[%get3A_192] {strides = array<i32>} : memref<512xf32, #tpu.memory_space<vmem>>, vector<16xf32>,
    %get3A_194 = vector.shape_cast %get3A_193 : vector<16xf32> to vector<16xf32>
    %get3A_195 = arith.constant 448 : index
    %get3A_196 = tpu.vector_load %arg7[%get3A_195] {strides = array<i32>} : memref<512xf32, #tpu.memory_space<vmem>>, vector<16xf32>,
    %get3A_197 = vector.shape_cast %get3A_196 : vector<16xf32> to vector<16xf32>
    %get3A_198 = arith.constant 464 : index
    %get3A_199 = tpu.vector_load %arg7[%get3A_198] {strides = array<i32>} : memref<512xf32, #tpu.memory_space<vmem>>, vector<16xf32>,
    %get3A_200 = vector.shape_cast %get3A_199 : vector<16xf32> to vector<16xf32>
    %get3A_201 = arith.constant 480 : index
    %get3A_202 = tpu.vector_load %arg7[%get3A_201] {strides = array<i32>} : memref<512xf32, #tpu.memory_space<vmem>>, vector<16xf32>,
    %get3A_203 = vector.shape_cast %get3A_202 : vector<16xf32> to vector<16xf32>
    %get3A_204 = arith.constant 496 : index
    %get3A_205 = tpu.vector_load %arg7[%get3A_204] {strides = array<i32>} : memref<512xf32, #tpu.memory_space<vmem>>, vector<16xf32>,
    %get3A_206 = vector.shape_cast %get3A_205 : vector<16xf32> to vector<16xf32>
    %scan3A_207 = arith.constant 0 : i32
    %scan3A_208 = arith.constant 64 : i32
    %scan3A_209 = arith.addi %scan3A_207, %scan3A_208 : i32
    %scan3A_210 = arith.constant 1 : i32
    %scan3A_211:8 = scf.for %scan3A_341 = %scan3A_207 to %scan3A_209 step %scan3A_210 iter_args(%scan3A_342 = %get3A_185, %scan3A_343 = %get3A_188, %scan3A_344 = %get3A_191, %scan3A_345 = %get3A_194, %scan3A_346 = %get3A_197, %scan3A_347 = %get3A_200, %scan3A_348 = %get3A_203, %scan3A_349 = %get3A_206) -> (vector<16xf32>, vector<16xf32>, vector<16xf32>, vector<16xf32>, vector<16xf32>, vector<16xf32>, vector<16xf32>, vector<16xf32>)  : i32 {
      %add3A_350 = arith.constant 192 : i32
      %add3A_351 = arith.addi %add3A_350, %scan3A_341 : i32
      %swap3A = arith.index_cast %add3A_351 : i32 to index
      %swap3A_352 = arith.constant 0 : index
      %swap3A_353 = tpu.vector_load %arg9[%swap3A, %swap3A_352] {strides = array<i32>} : memref<256x128xf32, #tpu.memory_space<vmem>>, vector<1x16xf32>,
      %swap3A_354 = vector.shape_cast %swap3A_353 : vector<1x16xf32> to vector<16xf32>
      %swap3A_355 = vector.shape_cast %scan3A_342 : vector<16xf32> to vector<1x16xf32>
      tpu.vector_store %arg9[%swap3A, %swap3A_352], %swap3A_355 {strides = array<i32>} : memref<256x128xf32, #tpu.memory_space<vmem>>, vector<1x16xf32>,
      %mul3A_356 = arith.mulf %scan3A_342, %get3A_22 : vector<16xf32>
      %lt3A = arith.constant 0 : i32
      %lt3A_357 = vector.broadcast %lt3A : i32 to vector<16xi32>
      %lt3A_358 = arith.cmpi slt, %xor3A_20, %lt3A_357 : vector<16xi32>
      %add3A_359 = arith.constant 16 : i32
      %add3A_360 = vector.broadcast %add3A_359 : i32 to vector<16xi32>
      %add3A_361 = arith.addi %xor3A_20, %add3A_360 : vector<16xi32>
      %select_n3A = arith.select %lt3A_358, %add3A_361, %xor3A_20 : vector<16xi1>, vector<16xi32>
      %broadcast_in_dim3A = vector.shape_cast %select_n3A : vector<16xi32> to vector<16x1xi32>
      %gather3A = vector.shape_cast %broadcast_in_dim3A : vector<16x1xi32> to vector<16xi32>
      %gather3A_362 = tpu.dynamic_gather %scan3A_342[%gather3A] in [0] : vector<16xf32>, vector<16xi32> -> vector<16xf32>
      %mul3A_363 = arith.mulf %gather3A_362, %get3A_46 : vector<16xf32>
      %add3A_364 = arith.addf %mul3A_356, %mul3A_363 : vector<16xf32>
      %swap3A_365 = arith.index_cast %add3A_351 : i32 to index
      %swap3A_366 = arith.constant 16 : index
      %swap3A_367 = tpu.vector_load %arg9[%swap3A_365, %swap3A_366] {strides = array<i32>} : memref<256x128xf32, #tpu.memory_space<vmem>>, vector<1x16xf32>,
      %swap3A_368 = vector.shape_cast %swap3A_367 : vector<1x16xf32> to vector<16xf32>
      %swap3A_369 = vector.shape_cast %scan3A_343 : vector<16xf32> to vector<1x16xf32>
      tpu.vector_store %arg9[%swap3A_365, %swap3A_366], %swap3A_369 {strides = array<i32>} : memref<256x128xf32, #tpu.memory_space<vmem>>, vector<1x16xf32>,
      %mul3A_370 = arith.mulf %scan3A_343, %get3A_25 : vector<16xf32>
      %lt3A_371 = arith.constant 0 : i32
      %lt3A_372 = vector.broadcast %lt3A_371 : i32 to vector<16xi32>
      %lt3A_373 = arith.cmpi slt, %xor3A_20, %lt3A_372 : vector<16xi32>
      %add3A_374 = arith.constant 16 : i32
      %add3A_375 = vector.broadcast %add3A_374 : i32 to vector<16xi32>
      %add3A_376 = arith.addi %xor3A_20, %add3A_375 : vector<16xi32>
      %select_n3A_377 = arith.select %lt3A_373, %add3A_376, %xor3A_20 : vector<16xi1>, vector<16xi32>
      %broadcast_in_dim3A_378 = vector.shape_cast %select_n3A_377 : vector<16xi32> to vector<16x1xi32>
      %gather3A_379 = vector.shape_cast %broadcast_in_dim3A_378 : vector<16x1xi32> to vector<16xi32>
      %gather3A_380 = tpu.dynamic_gather %scan3A_343[%gather3A_379] in [0] : vector<16xf32>, vector<16xi32> -> vector<16xf32>
      %mul3A_381 = arith.mulf %gather3A_380, %get3A_49 : vector<16xf32>
      %add3A_382 = arith.addf %mul3A_370, %mul3A_381 : vector<16xf32>
      %swap3A_383 = arith.index_cast %add3A_351 : i32 to index
      %swap3A_384 = arith.constant 32 : index
      %swap3A_385 = tpu.vector_load %arg9[%swap3A_383, %swap3A_384] {strides = array<i32>} : memref<256x128xf32, #tpu.memory_space<vmem>>, vector<1x16xf32>,
      %swap3A_386 = vector.shape_cast %swap3A_385 : vector<1x16xf32> to vector<16xf32>
      %swap3A_387 = vector.shape_cast %scan3A_344 : vector<16xf32> to vector<1x16xf32>
      tpu.vector_store %arg9[%swap3A_383, %swap3A_384], %swap3A_387 {strides = array<i32>} : memref<256x128xf32, #tpu.memory_space<vmem>>, vector<1x16xf32>,
      %mul3A_388 = arith.mulf %scan3A_344, %get3A_28 : vector<16xf32>
      %lt3A_389 = arith.constant 0 : i32
      %lt3A_390 = vector.broadcast %lt3A_389 : i32 to vector<16xi32>
      %lt3A_391 = arith.cmpi slt, %xor3A_20, %lt3A_390 : vector<16xi32>
      %add3A_392 = arith.constant 16 : i32
      %add3A_393 = vector.broadcast %add3A_392 : i32 to vector<16xi32>
      %add3A_394 = arith.addi %xor3A_20, %add3A_393 : vector<16xi32>
      %select_n3A_395 = arith.select %lt3A_391, %add3A_394, %xor3A_20 : vector<16xi1>, vector<16xi32>
      %broadcast_in_dim3A_396 = vector.shape_cast %select_n3A_395 : vector<16xi32> to vector<16x1xi32>
      %gather3A_397 = vector.shape_cast %broadcast_in_dim3A_396 : vector<16x1xi32> to vector<16xi32>
      %gather3A_398 = tpu.dynamic_gather %scan3A_344[%gather3A_397] in [0] : vector<16xf32>, vector<16xi32> -> vector<16xf32>
      %mul3A_399 = arith.mulf %gather3A_398, %get3A_52 : vector<16xf32>
      %add3A_400 = arith.addf %mul3A_388, %mul3A_399 : vector<16xf32>
      %swap3A_401 = arith.index_cast %add3A_351 : i32 to index
      %swap3A_402 = arith.constant 48 : index
      %swap3A_403 = tpu.vector_load %arg9[%swap3A_401, %swap3A_402] {strides = array<i32>} : memref<256x128xf32, #tpu.memory_space<vmem>>, vector<1x16xf32>,
      %swap3A_404 = vector.shape_cast %swap3A_403 : vector<1x16xf32> to vector<16xf32>
      %swap3A_405 = vector.shape_cast %scan3A_345 : vector<16xf32> to vector<1x16xf32>
      tpu.vector_store %arg9[%swap3A_401, %swap3A_402], %swap3A_405 {strides = array<i32>} : memref<256x128xf32, #tpu.memory_space<vmem>>, vector<1x16xf32>,
      %mul3A_406 = arith.mulf %scan3A_345, %get3A_31 : vector<16xf32>
      %lt3A_407 = arith.constant 0 : i32
      %lt3A_408 = vector.broadcast %lt3A_407 : i32 to vector<16xi32>
      %lt3A_409 = arith.cmpi slt, %xor3A_20, %lt3A_408 : vector<16xi32>
      %add3A_410 = arith.constant 16 : i32
      %add3A_411 = vector.broadcast %add3A_410 : i32 to vector<16xi32>
      %add3A_412 = arith.addi %xor3A_20, %add3A_411 : vector<16xi32>
      %select_n3A_413 = arith.select %lt3A_409, %add3A_412, %xor3A_20 : vector<16xi1>, vector<16xi32>
      %broadcast_in_dim3A_414 = vector.shape_cast %select_n3A_413 : vector<16xi32> to vector<16x1xi32>
      %gather3A_415 = vector.shape_cast %broadcast_in_dim3A_414 : vector<16x1xi32> to vector<16xi32>
      %gather3A_416 = tpu.dynamic_gather %scan3A_345[%gather3A_415] in [0] : vector<16xf32>, vector<16xi32> -> vector<16xf32>
      %mul3A_417 = arith.mulf %gather3A_416, %get3A_55 : vector<16xf32>
      %add3A_418 = arith.addf %mul3A_406, %mul3A_417 : vector<16xf32>
      %swap3A_419 = arith.index_cast %add3A_351 : i32 to index
      %swap3A_420 = arith.constant 64 : index
      %swap3A_421 = tpu.vector_load %arg9[%swap3A_419, %swap3A_420] {strides = array<i32>} : memref<256x128xf32, #tpu.memory_space<vmem>>, vector<1x16xf32>,
      %swap3A_422 = vector.shape_cast %swap3A_421 : vector<1x16xf32> to vector<16xf32>
      %swap3A_423 = vector.shape_cast %scan3A_346 : vector<16xf32> to vector<1x16xf32>
      tpu.vector_store %arg9[%swap3A_419, %swap3A_420], %swap3A_423 {strides = array<i32>} : memref<256x128xf32, #tpu.memory_space<vmem>>, vector<1x16xf32>,
      %mul3A_424 = arith.mulf %scan3A_346, %get3A_34 : vector<16xf32>
      %lt3A_425 = arith.constant 0 : i32
      %lt3A_426 = vector.broadcast %lt3A_425 : i32 to vector<16xi32>
      %lt3A_427 = arith.cmpi slt, %xor3A_20, %lt3A_426 : vector<16xi32>
      %add3A_428 = arith.constant 16 : i32
      %add3A_429 = vector.broadcast %add3A_428 : i32 to vector<16xi32>
      %add3A_430 = arith.addi %xor3A_20, %add3A_429 : vector<16xi32>
      %select_n3A_431 = arith.select %lt3A_427, %add3A_430, %xor3A_20 : vector<16xi1>, vector<16xi32>
      %broadcast_in_dim3A_432 = vector.shape_cast %select_n3A_431 : vector<16xi32> to vector<16x1xi32>
      %gather3A_433 = vector.shape_cast %broadcast_in_dim3A_432 : vector<16x1xi32> to vector<16xi32>
      %gather3A_434 = tpu.dynamic_gather %scan3A_346[%gather3A_433] in [0] : vector<16xf32>, vector<16xi32> -> vector<16xf32>
      %mul3A_435 = arith.mulf %gather3A_434, %get3A_58 : vector<16xf32>
      %add3A_436 = arith.addf %mul3A_424, %mul3A_435 : vector<16xf32>
      %swap3A_437 = arith.index_cast %add3A_351 : i32 to index
      %swap3A_438 = arith.constant 80 : index
      %swap3A_439 = tpu.vector_load %arg9[%swap3A_437, %swap3A_438] {strides = array<i32>} : memref<256x128xf32, #tpu.memory_space<vmem>>, vector<1x16xf32>,
      %swap3A_440 = vector.shape_cast %swap3A_439 : vector<1x16xf32> to vector<16xf32>
      %swap3A_441 = vector.shape_cast %scan3A_347 : vector<16xf32> to vector<1x16xf32>
      tpu.vector_store %arg9[%swap3A_437, %swap3A_438], %swap3A_441 {strides = array<i32>} : memref<256x128xf32, #tpu.memory_space<vmem>>, vector<1x16xf32>,
      %mul3A_442 = arith.mulf %scan3A_347, %get3A_37 : vector<16xf32>
      %lt3A_443 = arith.constant 0 : i32
      %lt3A_444 = vector.broadcast %lt3A_443 : i32 to vector<16xi32>
      %lt3A_445 = arith.cmpi slt, %xor3A_20, %lt3A_444 : vector<16xi32>
      %add3A_446 = arith.constant 16 : i32
      %add3A_447 = vector.broadcast %add3A_446 : i32 to vector<16xi32>
      %add3A_448 = arith.addi %xor3A_20, %add3A_447 : vector<16xi32>
      %select_n3A_449 = arith.select %lt3A_445, %add3A_448, %xor3A_20 : vector<16xi1>, vector<16xi32>
      %broadcast_in_dim3A_450 = vector.shape_cast %select_n3A_449 : vector<16xi32> to vector<16x1xi32>
      %gather3A_451 = vector.shape_cast %broadcast_in_dim3A_450 : vector<16x1xi32> to vector<16xi32>
      %gather3A_452 = tpu.dynamic_gather %scan3A_347[%gather3A_451] in [0] : vector<16xf32>, vector<16xi32> -> vector<16xf32>
      %mul3A_453 = arith.mulf %gather3A_452, %get3A_61 : vector<16xf32>
      %add3A_454 = arith.addf %mul3A_442, %mul3A_453 : vector<16xf32>
      %swap3A_455 = arith.index_cast %add3A_351 : i32 to index
      %swap3A_456 = arith.constant 96 : index
      %swap3A_457 = tpu.vector_load %arg9[%swap3A_455, %swap3A_456] {strides = array<i32>} : memref<256x128xf32, #tpu.memory_space<vmem>>, vector<1x16xf32>,
      %swap3A_458 = vector.shape_cast %swap3A_457 : vector<1x16xf32> to vector<16xf32>
      %swap3A_459 = vector.shape_cast %scan3A_348 : vector<16xf32> to vector<1x16xf32>
      tpu.vector_store %arg9[%swap3A_455, %swap3A_456], %swap3A_459 {strides = array<i32>} : memref<256x128xf32, #tpu.memory_space<vmem>>, vector<1x16xf32>,
      %mul3A_460 = arith.mulf %scan3A_348, %get3A_40 : vector<16xf32>
      %lt3A_461 = arith.constant 0 : i32
      %lt3A_462 = vector.broadcast %lt3A_461 : i32 to vector<16xi32>
      %lt3A_463 = arith.cmpi slt, %xor3A_20, %lt3A_462 : vector<16xi32>
      %add3A_464 = arith.constant 16 : i32
      %add3A_465 = vector.broadcast %add3A_464 : i32 to vector<16xi32>
      %add3A_466 = arith.addi %xor3A_20, %add3A_465 : vector<16xi32>
      %select_n3A_467 = arith.select %lt3A_463, %add3A_466, %xor3A_20 : vector<16xi1>, vector<16xi32>
      %broadcast_in_dim3A_468 = vector.shape_cast %select_n3A_467 : vector<16xi32> to vector<16x1xi32>
      %gather3A_469 = vector.shape_cast %broadcast_in_dim3A_468 : vector<16x1xi32> to vector<16xi32>
      %gather3A_470 = tpu.dynamic_gather %scan3A_348[%gather3A_469] in [0] : vector<16xf32>, vector<16xi32> -> vector<16xf32>
      %mul3A_471 = arith.mulf %gather3A_470, %get3A_64 : vector<16xf32>
      %add3A_472 = arith.addf %mul3A_460, %mul3A_471 : vector<16xf32>
      %swap3A_473 = arith.index_cast %add3A_351 : i32 to index
      %swap3A_474 = arith.constant 112 : index
      %swap3A_475 = tpu.vector_load %arg9[%swap3A_473, %swap3A_474] {strides = array<i32>} : memref<256x128xf32, #tpu.memory_space<vmem>>, vector<1x16xf32>,
      %swap3A_476 = vector.shape_cast %swap3A_475 : vector<1x16xf32> to vector<16xf32>
      %swap3A_477 = vector.shape_cast %scan3A_349 : vector<16xf32> to vector<1x16xf32>
      tpu.vector_store %arg9[%swap3A_473, %swap3A_474], %swap3A_477 {strides = array<i32>} : memref<256x128xf32, #tpu.memory_space<vmem>>, vector<1x16xf32>,
      %mul3A_478 = arith.mulf %scan3A_349, %get3A_43 : vector<16xf32>
      %lt3A_479 = arith.constant 0 : i32
      %lt3A_480 = vector.broadcast %lt3A_479 : i32 to vector<16xi32>
      %lt3A_481 = arith.cmpi slt, %xor3A_20, %lt3A_480 : vector<16xi32>
      %add3A_482 = arith.constant 16 : i32
      %add3A_483 = vector.broadcast %add3A_482 : i32 to vector<16xi32>
      %add3A_484 = arith.addi %xor3A_20, %add3A_483 : vector<16xi32>
      %select_n3A_485 = arith.select %lt3A_481, %add3A_484, %xor3A_20 : vector<16xi1>, vector<16xi32>
      %broadcast_in_dim3A_486 = vector.shape_cast %select_n3A_485 : vector<16xi32> to vector<16x1xi32>
      %gather3A_487 = vector.shape_cast %broadcast_in_dim3A_486 : vector<16x1xi32> to vector<16xi32>
      %gather3A_488 = tpu.dynamic_gather %scan3A_349[%gather3A_487] in [0] : vector<16xf32>, vector<16xi32> -> vector<16xf32>
      %mul3A_489 = arith.mulf %gather3A_488, %get3A_67 : vector<16xf32>
      %add3A_490 = arith.addf %mul3A_478, %mul3A_489 : vector<16xf32>
      scf.yield %add3A_364, %add3A_382, %add3A_400, %add3A_418, %add3A_436, %add3A_454, %add3A_472, %add3A_490 : vector<16xf32>, vector<16xf32>, vector<16xf32>, vector<16xf32>, vector<16xf32>, vector<16xf32>, vector<16xf32>, vector<16xf32>
    }
    %scan3A_212 = arith.constant 64 : i32
    %dma_start3A_213 = arith.constant 192 : i32
    %dma_start3A_214 = arith.constant 0 : i32
    %dma_start3A_215 = tpu.memref_slice %arg9[%dma_start3A_213, %dma_start3A_214] : memref<256x128xf32, #tpu.memory_space<vmem>> -> memref<64x128xf32, #tpu.memory_space<vmem>>
    %dma_start3A_216 = arith.constant 192 : i32
    %dma_start3A_217 = tpu.memref_slice %arg6[%dma_start3A_216] : memref<256xi32, #tpu.memory_space<vmem>> -> memref<64xi32, #tpu.memory_space<vmem>>
    %dma_start3A_218 = arith.constant 0 : i32
    %dma_start3A_219 = arith.constant 0 : i32
    %dma_start3A_220 = tpu.memref_slice %arg4[%dma_start3A_218, %dma_start3A_219] : memref<100000x128xf32, #tpu.memory_space<hbm>> -> memref<100000x128xf32, #tpu.memory_space<hbm>>
    tpu.enqueue_indirect_dma source(%dma_start3A_220 : memref<100000x128xf32, #tpu.memory_space<hbm>>) target(%dma_start3A_215 : memref<64x128xf32, #tpu.memory_space<vmem>>) offsets(%dma_start3A_217 : memref<64xi32, #tpu.memory_space<vmem>>) semaphore(%arg15 : memref<!tpu.dma_semaphore, #tpu.memory_space<semaphore_mem>>) {add = true}
    %dma_wait3A_221 = arith.constant 0 : i32
    %dma_wait3A_222 = arith.constant 0 : i32
    %dma_wait3A_223 = tpu.memref_slice %arg9[%dma_wait3A_221, %dma_wait3A_222] : memref<256x128xf32, #tpu.memory_space<vmem>> -> memref<64x128xf32, #tpu.memory_space<vmem>>
    %dma_wait3A_224 = arith.constant 0 : i32
    %dma_wait3A_225 = tpu.memref_slice %arg6[%dma_wait3A_224] : memref<256xi32, #tpu.memory_space<vmem>> -> memref<64xi32, #tpu.memory_space<vmem>>
    %dma_wait3A_226 = arith.constant 0 : i32
    %dma_wait3A_227 = arith.constant 0 : i32
    %dma_wait3A_228 = tpu.memref_slice %arg4[%dma_wait3A_226, %dma_wait3A_227] : memref<100000x128xf32, #tpu.memory_space<hbm>> -> memref<100000x128xf32, #tpu.memory_space<hbm>>
    tpu.wait_indirect_dma semaphore(%arg12 : memref<!tpu.dma_semaphore, #tpu.memory_space<semaphore_mem>>) src(%dma_wait3A_228 : memref<100000x128xf32, #tpu.memory_space<hbm>>) dst(%dma_wait3A_223 : memref<64x128xf32, #tpu.memory_space<vmem>>)
    %add3A_229 = arith.constant 0 : i32
    %add3A_230 = arith.addi %mul3A_2, %add3A_229 : i32
    %dma_start3A_231 = arith.constant 0 : i32
    %dma_start3A_232 = arith.constant 0 : i32
    %dma_start3A_233 = tpu.memref_slice %arg9[%dma_start3A_231, %dma_start3A_232] : memref<256x128xf32, #tpu.memory_space<vmem>> -> memref<64x128xf32, #tpu.memory_space<vmem>>
    %dma_start3A_234 = arith.constant 0 : i32
    %dma_start3A_235 = tpu.memref_slice %arg5[%add3A_230, %dma_start3A_234] : memref<8192x128xf32, #tpu.memory_space<hbm>> -> memref<64x128xf32, #tpu.memory_space<hbm>>
    %dma_start3A_236 = arith.constant 0 : i32
    %dma_start3A_237 = tpu.memref_slice %arg5[%add3A_230, %dma_start3A_236] : memref<8192x128xf32, #tpu.memory_space<hbm>> -> memref<64x128xf32, #tpu.memory_space<hbm>>
    %dma_start3A_238 = arith.constant 0 : i32
    %dma_start3A_239 = arith.constant 0 : i32
    %dma_start3A_240 = tpu.memref_slice %arg9[%dma_start3A_238, %dma_start3A_239] : memref<256x128xf32, #tpu.memory_space<vmem>> -> memref<64x128xf32, #tpu.memory_space<vmem>>
    tpu.enqueue_dma source(%dma_start3A_240 : memref<64x128xf32, #tpu.memory_space<vmem>>) target(%dma_start3A_237 : memref<64x128xf32, #tpu.memory_space<hbm>>) target_semaphore(%arg16 : memref<!tpu.dma_semaphore, #tpu.memory_space<semaphore_mem>>)
    %dma_wait3A_241 = arith.constant 64 : i32
    %dma_wait3A_242 = arith.constant 0 : i32
    %dma_wait3A_243 = tpu.memref_slice %arg9[%dma_wait3A_241, %dma_wait3A_242] : memref<256x128xf32, #tpu.memory_space<vmem>> -> memref<64x128xf32, #tpu.memory_space<vmem>>
    %dma_wait3A_244 = arith.constant 64 : i32
    %dma_wait3A_245 = tpu.memref_slice %arg6[%dma_wait3A_244] : memref<256xi32, #tpu.memory_space<vmem>> -> memref<64xi32, #tpu.memory_space<vmem>>
    %dma_wait3A_246 = arith.constant 0 : i32
    %dma_wait3A_247 = arith.constant 0 : i32
    %dma_wait3A_248 = tpu.memref_slice %arg4[%dma_wait3A_246, %dma_wait3A_247] : memref<100000x128xf32, #tpu.memory_space<hbm>> -> memref<100000x128xf32, #tpu.memory_space<hbm>>
    tpu.wait_indirect_dma semaphore(%arg13 : memref<!tpu.dma_semaphore, #tpu.memory_space<semaphore_mem>>) src(%dma_wait3A_248 : memref<100000x128xf32, #tpu.memory_space<hbm>>) dst(%dma_wait3A_243 : memref<64x128xf32, #tpu.memory_space<vmem>>)
    %add3A_249 = arith.constant 64 : i32
    %add3A_250 = arith.addi %mul3A_2, %add3A_249 : i32
    %dma_start3A_251 = arith.constant 64 : i32
    %dma_start3A_252 = arith.constant 0 : i32
    %dma_start3A_253 = tpu.memref_slice %arg9[%dma_start3A_251, %dma_start3A_252] : memref<256x128xf32, #tpu.memory_space<vmem>> -> memref<64x128xf32, #tpu.memory_space<vmem>>
    %dma_start3A_254 = arith.constant 0 : i32
    %dma_start3A_255 = tpu.memref_slice %arg5[%add3A_250, %dma_start3A_254] : memref<8192x128xf32, #tpu.memory_space<hbm>> -> memref<64x128xf32, #tpu.memory_space<hbm>>
    %dma_start3A_256 = arith.constant 0 : i32
    %dma_start3A_257 = tpu.memref_slice %arg5[%add3A_250, %dma_start3A_256] : memref<8192x128xf32, #tpu.memory_space<hbm>> -> memref<64x128xf32, #tpu.memory_space<hbm>>
    %dma_start3A_258 = arith.constant 64 : i32
    %dma_start3A_259 = arith.constant 0 : i32
    %dma_start3A_260 = tpu.memref_slice %arg9[%dma_start3A_258, %dma_start3A_259] : memref<256x128xf32, #tpu.memory_space<vmem>> -> memref<64x128xf32, #tpu.memory_space<vmem>>
    tpu.enqueue_dma source(%dma_start3A_260 : memref<64x128xf32, #tpu.memory_space<vmem>>) target(%dma_start3A_257 : memref<64x128xf32, #tpu.memory_space<hbm>>) target_semaphore(%arg16 : memref<!tpu.dma_semaphore, #tpu.memory_space<semaphore_mem>>)
    %dma_wait3A_261 = arith.constant 128 : i32
    %dma_wait3A_262 = arith.constant 0 : i32
    %dma_wait3A_263 = tpu.memref_slice %arg9[%dma_wait3A_261, %dma_wait3A_262] : memref<256x128xf32, #tpu.memory_space<vmem>> -> memref<64x128xf32, #tpu.memory_space<vmem>>
    %dma_wait3A_264 = arith.constant 128 : i32
    %dma_wait3A_265 = tpu.memref_slice %arg6[%dma_wait3A_264] : memref<256xi32, #tpu.memory_space<vmem>> -> memref<64xi32, #tpu.memory_space<vmem>>
    %dma_wait3A_266 = arith.constant 0 : i32
    %dma_wait3A_267 = arith.constant 0 : i32
    %dma_wait3A_268 = tpu.memref_slice %arg4[%dma_wait3A_266, %dma_wait3A_267] : memref<100000x128xf32, #tpu.memory_space<hbm>> -> memref<100000x128xf32, #tpu.memory_space<hbm>>
    tpu.wait_indirect_dma semaphore(%arg14 : memref<!tpu.dma_semaphore, #tpu.memory_space<semaphore_mem>>) src(%dma_wait3A_268 : memref<100000x128xf32, #tpu.memory_space<hbm>>) dst(%dma_wait3A_263 : memref<64x128xf32, #tpu.memory_space<vmem>>)
    %add3A_269 = arith.constant 128 : i32
    %add3A_270 = arith.addi %mul3A_2, %add3A_269 : i32
    %dma_start3A_271 = arith.constant 128 : i32
    %dma_start3A_272 = arith.constant 0 : i32
    %dma_start3A_273 = tpu.memref_slice %arg9[%dma_start3A_271, %dma_start3A_272] : memref<256x128xf32, #tpu.memory_space<vmem>> -> memref<64x128xf32, #tpu.memory_space<vmem>>
    %dma_start3A_274 = arith.constant 0 : i32
    %dma_start3A_275 = tpu.memref_slice %arg5[%add3A_270, %dma_start3A_274] : memref<8192x128xf32, #tpu.memory_space<hbm>> -> memref<64x128xf32, #tpu.memory_space<hbm>>
    %dma_start3A_276 = arith.constant 0 : i32
    %dma_start3A_277 = tpu.memref_slice %arg5[%add3A_270, %dma_start3A_276] : memref<8192x128xf32, #tpu.memory_space<hbm>> -> memref<64x128xf32, #tpu.memory_space<hbm>>
    %dma_start3A_278 = arith.constant 128 : i32
    %dma_start3A_279 = arith.constant 0 : i32
    %dma_start3A_280 = tpu.memref_slice %arg9[%dma_start3A_278, %dma_start3A_279] : memref<256x128xf32, #tpu.memory_space<vmem>> -> memref<64x128xf32, #tpu.memory_space<vmem>>
    tpu.enqueue_dma source(%dma_start3A_280 : memref<64x128xf32, #tpu.memory_space<vmem>>) target(%dma_start3A_277 : memref<64x128xf32, #tpu.memory_space<hbm>>) target_semaphore(%arg16 : memref<!tpu.dma_semaphore, #tpu.memory_space<semaphore_mem>>)
    %dma_wait3A_281 = arith.constant 192 : i32
    %dma_wait3A_282 = arith.constant 0 : i32
    %dma_wait3A_283 = tpu.memref_slice %arg9[%dma_wait3A_281, %dma_wait3A_282] : memref<256x128xf32, #tpu.memory_space<vmem>> -> memref<64x128xf32, #tpu.memory_space<vmem>>
    %dma_wait3A_284 = arith.constant 192 : i32
    %dma_wait3A_285 = tpu.memref_slice %arg6[%dma_wait3A_284] : memref<256xi32, #tpu.memory_space<vmem>> -> memref<64xi32, #tpu.memory_space<vmem>>
    %dma_wait3A_286 = arith.constant 0 : i32
    %dma_wait3A_287 = arith.constant 0 : i32
    %dma_wait3A_288 = tpu.memref_slice %arg4[%dma_wait3A_286, %dma_wait3A_287] : memref<100000x128xf32, #tpu.memory_space<hbm>> -> memref<100000x128xf32, #tpu.memory_space<hbm>>
    tpu.wait_indirect_dma semaphore(%arg15 : memref<!tpu.dma_semaphore, #tpu.memory_space<semaphore_mem>>) src(%dma_wait3A_288 : memref<100000x128xf32, #tpu.memory_space<hbm>>) dst(%dma_wait3A_283 : memref<64x128xf32, #tpu.memory_space<vmem>>)
    %add3A_289 = arith.constant 192 : i32
    %add3A_290 = arith.addi %mul3A_2, %add3A_289 : i32
    %dma_start3A_291 = arith.constant 192 : i32
    %dma_start3A_292 = arith.constant 0 : i32
    %dma_start3A_293 = tpu.memref_slice %arg9[%dma_start3A_291, %dma_start3A_292] : memref<256x128xf32, #tpu.memory_space<vmem>> -> memref<64x128xf32, #tpu.memory_space<vmem>>
    %dma_start3A_294 = arith.constant 0 : i32
    %dma_start3A_295 = tpu.memref_slice %arg5[%add3A_290, %dma_start3A_294] : memref<8192x128xf32, #tpu.memory_space<hbm>> -> memref<64x128xf32, #tpu.memory_space<hbm>>
    %dma_start3A_296 = arith.constant 0 : i32
    %dma_start3A_297 = tpu.memref_slice %arg5[%add3A_290, %dma_start3A_296] : memref<8192x128xf32, #tpu.memory_space<hbm>> -> memref<64x128xf32, #tpu.memory_space<hbm>>
    %dma_start3A_298 = arith.constant 192 : i32
    %dma_start3A_299 = arith.constant 0 : i32
    %dma_start3A_300 = tpu.memref_slice %arg9[%dma_start3A_298, %dma_start3A_299] : memref<256x128xf32, #tpu.memory_space<vmem>> -> memref<64x128xf32, #tpu.memory_space<vmem>>
    tpu.enqueue_dma source(%dma_start3A_300 : memref<64x128xf32, #tpu.memory_space<vmem>>) target(%dma_start3A_297 : memref<64x128xf32, #tpu.memory_space<hbm>>) target_semaphore(%arg16 : memref<!tpu.dma_semaphore, #tpu.memory_space<semaphore_mem>>)
    %dma_wait3A_301 = arith.constant 0 : i32
    %dma_wait3A_302 = arith.constant 0 : i32
    %dma_wait3A_303 = tpu.memref_slice %arg9[%dma_wait3A_301, %dma_wait3A_302] : memref<256x128xf32, #tpu.memory_space<vmem>> -> memref<64x128xf32, #tpu.memory_space<vmem>>
    %dma_wait3A_304 = arith.constant 0 : i32
    %dma_wait3A_305 = tpu.memref_slice %arg5[%add3A_230, %dma_wait3A_304] : memref<8192x128xf32, #tpu.memory_space<hbm>> -> memref<64x128xf32, #tpu.memory_space<hbm>>
    %dma_wait3A_306 = arith.constant 0 : i32
    %dma_wait3A_307 = tpu.memref_slice %arg5[%add3A_230, %dma_wait3A_306] : memref<8192x128xf32, #tpu.memory_space<hbm>> -> memref<64x128xf32, #tpu.memory_space<hbm>>
    %dma_wait3A_308 = arith.constant 0 : i32
    %dma_wait3A_309 = arith.constant 0 : i32
    %dma_wait3A_310 = tpu.memref_slice %arg9[%dma_wait3A_308, %dma_wait3A_309] : memref<256x128xf32, #tpu.memory_space<vmem>> -> memref<64x128xf32, #tpu.memory_space<vmem>>
    tpu.wait_dma2 semaphore(%arg16 : memref<!tpu.dma_semaphore, #tpu.memory_space<semaphore_mem>>) src(%dma_wait3A_310 : memref<64x128xf32, #tpu.memory_space<vmem>>) dst(%dma_wait3A_307 : memref<64x128xf32, #tpu.memory_space<hbm>>)
    %dma_wait3A_311 = arith.constant 64 : i32
    %dma_wait3A_312 = arith.constant 0 : i32
    %dma_wait3A_313 = tpu.memref_slice %arg9[%dma_wait3A_311, %dma_wait3A_312] : memref<256x128xf32, #tpu.memory_space<vmem>> -> memref<64x128xf32, #tpu.memory_space<vmem>>
    %dma_wait3A_314 = arith.constant 0 : i32
    %dma_wait3A_315 = tpu.memref_slice %arg5[%add3A_250, %dma_wait3A_314] : memref<8192x128xf32, #tpu.memory_space<hbm>> -> memref<64x128xf32, #tpu.memory_space<hbm>>
    %dma_wait3A_316 = arith.constant 0 : i32
    %dma_wait3A_317 = tpu.memref_slice %arg5[%add3A_250, %dma_wait3A_316] : memref<8192x128xf32, #tpu.memory_space<hbm>> -> memref<64x128xf32, #tpu.memory_space<hbm>>
    %dma_wait3A_318 = arith.constant 64 : i32
    %dma_wait3A_319 = arith.constant 0 : i32
    %dma_wait3A_320 = tpu.memref_slice %arg9[%dma_wait3A_318, %dma_wait3A_319] : memref<256x128xf32, #tpu.memory_space<vmem>> -> memref<64x128xf32, #tpu.memory_space<vmem>>
    tpu.wait_dma2 semaphore(%arg16 : memref<!tpu.dma_semaphore, #tpu.memory_space<semaphore_mem>>) src(%dma_wait3A_320 : memref<64x128xf32, #tpu.memory_space<vmem>>) dst(%dma_wait3A_317 : memref<64x128xf32, #tpu.memory_space<hbm>>)
    %dma_wait3A_321 = arith.constant 128 : i32
    %dma_wait3A_322 = arith.constant 0 : i32
    %dma_wait3A_323 = tpu.memref_slice %arg9[%dma_wait3A_321, %dma_wait3A_322] : memref<256x128xf32, #tpu.memory_space<vmem>> -> memref<64x128xf32, #tpu.memory_space<vmem>>
    %dma_wait3A_324 = arith.constant 0 : i32
    %dma_wait3A_325 = tpu.memref_slice %arg5[%add3A_270, %dma_wait3A_324] : memref<8192x128xf32, #tpu.memory_space<hbm>> -> memref<64x128xf32, #tpu.memory_space<hbm>>
    %dma_wait3A_326 = arith.constant 0 : i32
    %dma_wait3A_327 = tpu.memref_slice %arg5[%add3A_270, %dma_wait3A_326] : memref<8192x128xf32, #tpu.memory_space<hbm>> -> memref<64x128xf32, #tpu.memory_space<hbm>>
    %dma_wait3A_328 = arith.constant 128 : i32
    %dma_wait3A_329 = arith.constant 0 : i32
    %dma_wait3A_330 = tpu.memref_slice %arg9[%dma_wait3A_328, %dma_wait3A_329] : memref<256x128xf32, #tpu.memory_space<vmem>> -> memref<64x128xf32, #tpu.memory_space<vmem>>
    tpu.wait_dma2 semaphore(%arg16 : memref<!tpu.dma_semaphore, #tpu.memory_space<semaphore_mem>>) src(%dma_wait3A_330 : memref<64x128xf32, #tpu.memory_space<vmem>>) dst(%dma_wait3A_327 : memref<64x128xf32, #tpu.memory_space<hbm>>)
    %dma_wait3A_331 = arith.constant 192 : i32
    %dma_wait3A_332 = arith.constant 0 : i32
    %dma_wait3A_333 = tpu.memref_slice %arg9[%dma_wait3A_331, %dma_wait3A_332] : memref<256x128xf32, #tpu.memory_space<vmem>> -> memref<64x128xf32, #tpu.memory_space<vmem>>
    %dma_wait3A_334 = arith.constant 0 : i32
    %dma_wait3A_335 = tpu.memref_slice %arg5[%add3A_290, %dma_wait3A_334] : memref<8192x128xf32, #tpu.memory_space<hbm>> -> memref<64x128xf32, #tpu.memory_space<hbm>>
    %dma_wait3A_336 = arith.constant 0 : i32
    %dma_wait3A_337 = tpu.memref_slice %arg5[%add3A_290, %dma_wait3A_336] : memref<8192x128xf32, #tpu.memory_space<hbm>> -> memref<64x128xf32, #tpu.memory_space<hbm>>
    %dma_wait3A_338 = arith.constant 192 : i32
    %dma_wait3A_339 = arith.constant 0 : i32
    %dma_wait3A_340 = tpu.memref_slice %arg9[%dma_wait3A_338, %dma_wait3A_339] : memref<256x128xf32, #tpu.memory_space<vmem>> -> memref<64x128xf32, #tpu.memory_space<vmem>>
    tpu.wait_dma2 semaphore(%arg16 : memref<!tpu.dma_semaphore, #tpu.memory_space<semaphore_mem>>) src(%dma_wait3A_340 : memref<64x128xf32, #tpu.memory_space<vmem>>) dst(%dma_wait3A_337 : memref<64x128xf32, #tpu.memory_space<hbm>>)
    return
  }
}

</mosaic_0001>

<sc_bundles>
// kernel: kernel.3.cloned.1.call-start
scs
__scs_entry_jumppad:
0x0: {  	(pc) =	sbr.rel $0x88, $3  }
0x1: {  	(tag) =	ssettag $0x0;
	lr =	simm.s32 $0x1  }
0x2: {  	[smem:$0x3F9F] =	sst lr;
	_ =	strace $0xD0000000  }
0x3: {  	_ = 	snop  }
0x4: {  	_ = 	snop  }
0x5: {  	_ = 	snop  }
0x6: {  	_ = 	snop  }
0x7: {  	_ = 	snop  }
__scs_overlays_trampoline_lowered:
0x8: {  	[smem:$0x3FAE] =	sst s0  }
0x9: {  	[smem:$0x3FAF] =	sst s1  }
0xa: {  	[smem:$0x3FB0] =	sst s2  }
0xb: {  	[smem:$0x3FB1] =	sst s3  }
0xc: {  	[smem:$0x3FB2] =	sst s4  }
0xd: {  	[smem:$0x3FB3] =	sst s5  }
0xe: {  	[smem:$0x3FB4] =	sst s6  }
0xf: {  	[smem:$0x3FB5] =	sst s7  }
0x10: {  	[smem:$0x3FB6] =	sst s8  }
0x11: {  	[smem:$0x3FB7] =	sst s9;
	s0 =	simm.s32 @!p0 $0x0  }
0x12: {  	s1 =	sld [smem:$0x3F9D];
	s0 =	simm.s32 @p0 $0x1  }
0x13: {  	[smem:$0x3FB8] =	sst s0;
	s0 =	simm.s32 @!p1 $0x0  }
0x14: {  	s2 =	sld [smem:$0x3F9C];
	s0 =	simm.s32 @p1 $0x1  }
0x15: {  	[smem:$0x3FB9] =	sst s0;
	s0 =	simm.s32 @!p2 $0x0  }
0x16: {  	s3 =	sld [smem:$0x3FDB];
	s0 =	simm.s32 @p2 $0x1  }
0x17: {  	s4 =	simm.s32 $0x1BF5;
	[smem:$0x3FBB] =	sst s0  }
0x18: {  	s0 =	sld [smem:$0x3F9E];
	_ =	swait.ge [sflag:s4], $0x0  }
0x19: {  	s7 =	sld [smem:$0x3F9F]  }
0x1a: {  	s8 =	sadd.s32 $0xFFFFE003, lr  }
0x1b: {  	s9 =	sadd.s32 $0xFFFFFEF7, lr;
	s5 =	simm.s32 $0xFFFFFFFF;
	p2 =	slt.u32 s8, $0xFFFFF086  }
0x1c: {  	p1 =	slt.u32 s9, $0xF7A;
	s5 =	simm.s32 @!p2 $0x0  }
0x1d: {  	s5 =	simm.s32 @p1 $0x1;
	p0 =	seq.s32 s7, s2  }
0x1e: {  	s7 =	smul.u32 @!p0 $0xF7A, s2;
	p2 =	seq.s32 @!p0 s5, $0x0  }
0x1f: {  	s9 =	smul.u32 $0xF7A, s1;
	s8 =	simm.s32 @!p0 $0x1BF5;
	p2 =	por !p2, p0  }
0x20: {  	[sflag:s8] =	ssyncset.s32 @!p0 $0xFFFFF086;
	s6 =	sadd.s32 @!p0 s3, s7;
	s7 =	simm.s32 @!p0 $0x108  }
0x21: {  	s3 =	sadd.s32 s3, s9;
	s6 =	sadd.s32 @!p0 $0x88, s6;
	s7 =	simm.s32 @p2 $0x1082  }
0x22: {  	[simem:s7], [sflag:s8] =	dma.local @!p0 [hbm:s6], $0xF7A  }
0x23: {  	s9 =	sor.u32 $0xD0000000, s2;
	s6 =	simm.s32 $0x108;
	_ =	swait.ge @!p0 [sflag:s8], $0x0  }
0x24: {  	s3 =	sadd.s32 $0x88, s3;
	s6 =	simm.s32 @!p1 $0x1082;
	[sflag:s4] =	ssyncset.s32 $0xFFFFF086  }
0x25: {  	[simem:s6], [sflag:s4] =	dma.local [hbm:s3], $0xF7A  }
0x26: {  	[smem:$0x3F9F] =	sst s1;
	(tag) =	ssettag s2;
	_ =	strace s9  }
0x27: {  	s1 =	sld [smem:$0x3FAF]  }
0x28: {  	s2 =	sld [smem:$0x3FB0]  }
0x29: {  	s4 =	sld [smem:$0x3FB2]  }
0x2a: {  	p0 =	seq.s32 s5, $0x0;
	s5 =	sld [smem:$0x3FB3]  }
0x2b: {  	s6 =	sld [smem:$0x3FB4]  }
0x2c: {  	s7 =	sld [smem:$0x3FB5]  }
0x2d: {  	s3 =	simm.s32 $0x108;
	s8 =	sld [smem:$0x3FB6]  }
0x2e: {  	s3 =	simm.s32 @!p0 $0x1082;
	s9 =	sld [smem:$0x3FB7]  }
0x2f: {  	lr =	sadd.s32 s0, s3;
	s0 =	sld [smem:$0x3FAE]  }
0x30: {  	s3 =	sld [smem:$0x3FB1]  }
0x31: {  	[smem:$0x3FBA] =	sst s10  }
0x32: {  	s10 =	sld [smem:$0x3FB8];
	_ =	sdelay $0x3  }
0x33: {  	p0 =	seq.s32 s10, $0x1;
	s10 =	sld [smem:$0x3FBA];
	_ =	sdelay $0x3  }
0x34: {  	[smem:$0x3FBA] =	sst s10  }
0x35: {  	s10 =	sld [smem:$0x3FB9];
	_ =	sdelay $0x3  }
0x36: {  	p1 =	seq.s32 s10, $0x1;
	s10 =	sld [smem:$0x3FBA];
	_ =	sdelay $0x3  }
0x37: {  	[smem:$0x3FBA] =	sst s10  }
0x38: {  	s10 =	sld [smem:$0x3FBB]  }
0x39: {  	_ = 	snop;
	(pc) =	sbr.ind lr, $3  }
0x3a: {  	_ = 	snop  }
0x3b: {  	_ = 	snop  }
0x3c: {  	p2 =	seq.s32 s10, $0x1;
	s10 =	sld [smem:$0x3FBA]  }
0x3d: {  	_ =	shalt  }
0x3e: {  	_ =	shalt  }
0x3f: {  	_ =	shalt  }
0x40: {  	_ =	shalt  }
0x41: {  	_ =	shalt  }
0x42: {  	_ =	shalt  }
0x43: {  	_ =	shalt  }
0x44: {  	_ =	shalt  }
0x45: {  	_ =	shalt  }
0x46: {  	_ =	shalt  }
0x47: {  	_ =	shalt  }
0x48: {  	_ =	shalt  }
0x49: {  	_ =	shalt  }
0x4a: {  	_ =	shalt  }
0x4b: {  	_ =	shalt  }
0x4c: {  	_ =	shalt  }
0x4d: {  	_ =	shalt  }
0x4e: {  	_ =	shalt  }
0x4f: {  	_ =	shalt  }
0x50: {  	_ =	shalt  }
0x51: {  	_ =	shalt  }
0x52: {  	_ =	shalt  }
0x53: {  	_ =	shalt  }
0x54: {  	_ =	shalt  }
0x55: {  	_ =	shalt  }
0x56: {  	_ =	shalt  }
0x57: {  	_ =	shalt  }
0x58: {  	_ =	shalt  }
0x59: {  	_ =	shalt  }
0x5a: {  	_ =	shalt  }
0x5b: {  	_ =	shalt  }
0x5c: {  	_ =	shalt  }
0x5d: {  	_ =	shalt  }
0x5e: {  	_ =	shalt  }
0x5f: {  	_ =	shalt  }
0x60: {  	_ =	shalt  }
0x61: {  	_ =	shalt  }
0x62: {  	_ =	shalt  }
0x63: {  	_ =	shalt  }
0x64: {  	_ =	shalt  }
0x65: {  	_ =	shalt  }
0x66: {  	_ =	shalt  }
0x67: {  	_ =	shalt  }
0x68: {  	_ =	shalt  }
0x69: {  	_ =	shalt  }
0x6a: {  	_ =	shalt  }
0x6b: {  	_ =	shalt  }
0x6c: {  	_ =	shalt  }
0x6d: {  	_ =	shalt  }
0x6e: {  	_ =	shalt  }
0x6f: {  	_ =	shalt  }
0x70: {  	_ =	shalt  }
0x71: {  	_ =	shalt  }
0x72: {  	_ =	shalt  }
0x73: {  	_ =	shalt  }
0x74: {  	_ =	shalt  }
0x75: {  	_ =	shalt  }
0x76: {  	_ =	shalt  }
0x77: {  	_ =	shalt  }
0x78: {  	_ =	shalt  }
0x79: {  	_ =	shalt  }
0x7a: {  	_ =	shalt  }
0x7b: {  	_ =	shalt  }
0x7c: {  	_ =	shalt  }
0x7d: {  	_ =	shalt  }
0x7e: {  	_ =	shalt  }
0x7f: {  	_ =	shalt  }
0x80: {  	_ =	shalt  }
0x81: {  	_ =	shalt  }
0x82: {  	_ =	shalt  }
0x83: {  	_ =	shalt  }
0x84: {  	_ =	shalt  }
0x85: {  	_ =	shalt  }
0x86: {  	_ =	shalt  }
0x87: {  	_ =	shalt  }
.Lfunc_end0:
.L_simem_size_0:
called_computation_lowered:
.L_overlay_start_0:
0x88: {  	s2 =	sld [smem:$0x3FD9]  }
0x89: {  	s3 =	sld [smem:$0x3FFE];
	_ =	sdelay $0x1  }
0x8a: {  	s1 =	srdreg.scid  }
0x8b: {  	s0 =	sand.u32 $0x1, s1  }
0x8c: {  	s17 =	sshll.u32 s0, $0xA;
	s2 =	sadd.s32 s3, s2  }
0x8d: {  	s2 =	sadd.s32 s2, s17  }
0x8e: {  	[smem:$0x3FC6] =	sst s2  }
0x8f: {  	_ = 	snop  }
0x90: {  	s2 =	sld [smem:$0x3FC9]  }
0x91: {  	s18 =	sld [smem:$0x3FC8]  }
0x92: {  	s4 =	sld [smem:$0x3FD0];
	(tm) =	ssettm $0x1  }
0x93: {  	s5 =	sld [smem:$0x3FFB];
	_ =	sdelay $0x3  }
0x94: {  	_ =	strace s5  }
0x95: {  	s5 =	sld [smem:$0x3FFC];
	_ =	sdelay $0x3  }
0x96: {  	_ =	strace s5  }
0x97: {  	s5 =	sld [smem:$0x3FFD];
	_ =	sdelay $0x3  }
0x98: {  	_ =	strace s5  }
0x99: {  	_ =	strace $0x8FFFFFFF  }
0x9a: {  	s19 =	sld [smem:$0x3FDB];
	_ =	sdelay $0x1  }
0x9b: {  	s6 =	simm.s32 $_scs_section_size  }
0x9c: {  	s7 =	simm.s32 $_size__tile_overlayer_lowered;
	s8 =	simm.s32 $_tile_overlayer_lowered  }
0x9d: {  	s22 =	simm.s32 $0x1BFF;
	s21 =	sshll.u32 s8, $0x1;
	s5 =	sadd.s32 s6, s19  }
0x9e: {  	s9 =	simm.s32 $0x0;
	s20 =	sshll.u32 s7, $0x1;
	s7 =	sadd.s32 s21, s5  }
0x9f: {  	[timem:s9], [sflag:s22] =	dma.local [hbm:s7], s20  }
0xa0: {  	_ =	swait.ge [sflag:s22], s20  }
0xa1: {  	s6 =	ssub.s32 $0x0, s20;
	[sflag:s22] =	ssyncset.done $0x0  }
0xa2: {  	[sflag:s22] =	ssyncadd.s32 s6;
	_ =	sdelay $0x1  }
0xa3: {  	s23 =	simm.s32 $0x1B8B  }
0xa4: {  	_ =	swait.ge [sflag:s23], $0x1  }
0xa5: {  	[sflag:s23] =	ssyncset.done $0x0  }
0xa6: {  	s25 =	simm.s32 $0x1B8E;
	s24 =	sld [smem:$0x3FFE];
	[sflag:s23] =	ssyncadd.s32 $0xFFFFFFFF  }
0xa7: {  	s26 =	simm.s32 $execute0_lowered;
	[smem:$0x3FD2] =	sst s25  }
0xa8: {  	s7 =	sshll.u32 s26, $0x1;
	_ =	strace $0x80000046;
	[dreg:$0x1] =	wrdreg $0xFFFFFFFF  }
0xa9: {  	s28 =	simm.s32 $_size_execute0_lowered;
	s5 =	sadd.s32 s5, s7;
	[dreg:$0x0] =	wrdreg $0x0  }
0xaa: {  	s7 =	sshll.u32 s28, $0x1;
	[dreg:$0x2] =	wrdreg s5  }
0xab: {  	[dreg:$0x3] =	wrdreg s7  }
0xac: {  	[dreg:$0x4] =	wrdreg $0xC0  }
0xad: {  	_ =	task [dreg:s9], $0x5FFFF  }
0xae: {  	[dreg:$0x1] =	wrdreg $0xFFFFFFFF  }
0xaf: {  	[dreg:$0x0] =	wrdreg $0x60  }
0xb0: {  	[dreg:$0x2] =	wrdreg s2  }
0xb1: {  	[dreg:$0x3] =	wrdreg s24  }
0xb2: {  	[dreg:$0x4] =	wrdreg s18  }
0xb3: {  	[dreg:$0x5] =	wrdreg s4  }
0xb4: {  	[dreg:$0x6] =	wrdreg $0x9  }
0xb5: {  	_ =	task.clear_ibuf [dreg:s9], $0x7FFFF;
	_ =	strace $0x90000046  }
0xb6: {  	s29 =	simm.s32 $0x9;
	_ =	strace $0x80000048  }
0xb7: {  	_ =	swait.ge [sflag:s29], $0x1  }
0xb8: {  	[sflag:s29] =	ssyncadd.s32 $0xFFFFFFFF  }
0xb9: {  	_ =	strace $0x90000048  }
0xba: {  	_ =	sfence  }
0xbb: {  	s30 =	sld [smem:$0x0];
	_ =	sdelay $0x2  }
0xbc: {  	s31 =	sshll.u32 s1, $0xD;
	s1 =	sshrl.u32 s1, $0x2  }
0xbd: {  	s3 =	sand.u32 $0x4000, s31;
	s1 =	sadd.s32 s1, s30  }
0xbe: {  	s0 =	sor.u32 s3, s0;
	s1 =	sshll.u32 s1, $0x11  }
0xbf: {  	s0 =	sor.u32 s1, s0  }
0xc0: {  	s0 =	sadd.s32 $0x8F2B, s0  }
0xc1: {  	[sflag:s0] =	ssyncadd.remote.s32 $0x1  }
0xc2: {  	_ =	sfence.sel $0xFFFF  }
0xc3: {  	[dreg:$0x0] =	wrdreg $0xFFFFFFFF;
	(pc) =	sbr.abs _section_cstart, $3  }
0xc4: {  	[dreg:$0x1] =	wrdreg $0xFFFFFFFF  }
0xc5: {  	_ =	task.clear_ibuf [dreg:s9], $0x2FFFF;
	_ =	strace $0x9FFFFFFF  }
0xc6: {  	(tm) =	ssettm $0x7FFFFFFF  }
0xc7: {  	_ =	shalt  }
tec
execute0_lowered:
.L_overlay_start_1:
0x0: {  	(tag) =	ssettag $0x1  }
0x1: {  	s4 =	rddreg [dreg:$0x0]  }
0x2: {  	s6 =	rddreg [dreg:$0x1]  }
0x3: {  	s2 =	rddreg [dreg:$0x2]  }
0x4: {  	s7 =	rddreg [dreg:$0x3]  }
0x5: {  	s0 =	rddreg [dreg:$0x4];
	s5 =	srdreg.scid  }
0x6: {  	s1 =	stileid.u32;
	s3 =	simm.s32 $0x0;
	s13 =	simm.s32 $0x300  }
0x7: {  	s14 =	simm.s32 $0x2;
	s15 =	simm.s32 $0x1;
	s16 =	simm.s32 $0x40  }
0x8: {  	s17 =	simm.s32 $0x400;
	s18 =	simm.s32 $0x2400;
	s19 =	simm.s32 $0x80  }
0x9: {  	s20 =	simm.s32 $0x4400;
	s21 =	simm.s32 $0xC0;
	s22 =	simm.s32 $0x6400  }
0xa: {  	s23 =	simm.s32 $0x3;
	s24 =	simm.s32 $0x4;
	s25 =	simm.s32 $0x5  }
0xb: {  	v0 =	vimm.s32 $0xEFCDAB89;
	v1 =	vimm.s32 $0x67452301;
	s26 =	simm.s32 $0x6;
	s28 =	simm.s32 $0x7;
	s29 =	simm.s32 $0x0  }
0xc: {  	s5 =	sand.u32 $0x1, s5;
	s8 =	sshll.u32 s1, $0x1;
	[smem:$0x7FF] =	sst s3;
	v0 =	vunpack.c.l.s4.s8 v0;
	v1 =	vunpack.c.l.s4.s8 v1  }
0xd: {  	s8 =	sor.u32 s5, s8;
	_ =	strace $0x80000047;
	s5 =	ssub.s32 $0x2, s5  }
0xe: {  	s9 =	sshll.u32 s8, $0x6;
	s10 =	sshrl.u32 s5, $0x1;
	s11 =	sshll.u32 s8, $0x5;
	v0 =	vunpack.c.0.s8.s32 v0;
	v1 =	vunpack.c.0.s8.s32 v1  }
0xf: {  	s8 =	sshll.u32 s8, $0xC;
	s9 =	sadd.s32 s9, s6;
	s12 =	ssub.s32 s5, s10  }
0x10: {  	s4 =	sadd.s32 s4, s11;
	s6 =	sadd.s32 $0xC00, s6;
	s7 =	sadd.s32 s7, s8;
	v0 =	vcombine.low v1, v0  }
0x11: {  	s5 =	sadd.s32 $0x400, s9;
	s8 =	sadd.s32 $0x400, s7;
	s9 =	sadd.s32 $0x800, s7  }
0x12: {  	s10 =	sadd.s32 $0xC00, s7;
	s11 =	smax.u32 s12, $0x1;
	s12 =	simm.s32 $0x100;
	v0 =	vand.u32 $0xF, v0  }
.LBB2_1:
0x13: {  	[tilespmem:s3], [sflag:$0x1] =	stream.linear.gather [hbm4b:s4+s3], $0x100, $0x38;
	[tilespmem:$0x8400] =	vst v63  }
0x14: {  	_ = 	snop  }
0x15: {  	[tilespmem:s12], [sflag:$0x2] =	stream.linear.gather [hbm4b:s5+s3], $0x200, $0x38;
	[tilespmem:$0x8400] =	vst v63  }
0x16: {  	_ = 	snop  }
0x17: {  	[tilespmem:s13], [sflag:$0x2] =	stream.linear.gather [hbm4b:s6+s3], $0x100, $0x38;
	[tilespmem:$0x8400] =	vst v63  }
0x18: {  	_ =	swait.ge [sflag:s14], $0x200  }
0x19: {  	[sflag:s14] =	ssyncset.done $0x0  }
0x1a: {  	[sflag:s14] =	ssyncadd.s32 $0xFFFFFE00  }
0x1b: {  	_ =	swait.ge [sflag:s14], $0x100  }
0x1c: {  	[sflag:s14] =	ssyncset.done $0x0  }
0x1d: {  	[sflag:s14] =	ssyncadd.s32 $0xFFFFFF00  }
0x1e: {  	v1 =	vld [tilespmem:$0x300]  }
0x1f: {  	v2 =	vld [tilespmem:$0x310]  }
0x20: {  	v3 =	vld [tilespmem:$0x320]  }
0x21: {  	v4 =	vld [tilespmem:$0x330]  }
0x22: {  	v5 =	vld [tilespmem:$0x340]  }
0x23: {  	v6 =	vld [tilespmem:$0x350]  }
0x24: {  	v7 =	vld [tilespmem:$0x360]  }
0x25: {  	v8 =	vld [tilespmem:$0x370]  }
0x26: {  	v9 =	vld [tilespmem:$0x380]  }
0x27: {  	v10 =	vld [tilespmem:$0x390]  }
0x28: {  	v11 =	vld [tilespmem:$0x3A0]  }
0x29: {  	v12 =	vld [tilespmem:$0x3B0]  }
0x2a: {  	v13 =	vld [tilespmem:$0x3C0]  }
0x2b: {  	v14 =	vld [tilespmem:$0x3D0]  }
0x2c: {  	v15 =	vld [tilespmem:$0x3E0]  }
0x2d: {  	v16 =	vld [tilespmem:$0x3F0]  }
0x2e: {  	v22 =	vld [tilespmem:$0x100]  }
0x2f: {  	v23 =	vld [tilespmem:$0x130]  }
0x30: {  	v24 =	vld [tilespmem:$0x140]  }
0x31: {  	v18 =	vld [tilespmem:$0x120]  }
0x32: {  	v17 =	vld [tilespmem:$0x110]  }
0x33: {  	v28 =	vld [tilespmem:$0x170]  }
0x34: {  	s30 =	simm.s32 $0x0;
	v27 =	vld [tilespmem:$0x150];
	v32 =	vmul.f32 v23, v4  }
0x35: {  	v21 =	vld [tilespmem:$0x160];
	v19 =	vmul.f32 v22, v1;
	v29 =	vperm.xlane v23, v0;
	[tilespmem:s30+$0x440] =	vst v24  }
0x36: {  	v20 =	vmul.f32 v24, v5;
	[tilespmem:s30+$0x420] =	vst v18;
	v26 =	vperm.xlane v24, v0  }
0x37: {  	[tilespmem:s30+$0x410] =	vst v17;
	v24 =	vperm.xlane v17, v0;
	v25 =	vperm.xlane v18, v0  }
0x38: {  	[tilespmem:s30+$0x400] =	vst v22;
	v31 =	vperm.xlane v22, v0;
	v22 =	vmul.f32 v28, v8  }
0x39: {  	[tilespmem:s30+$0x470] =	vst v28;
	v30 =	vperm.xlane v28, v0;
	v33 =	vmul.f32 v29, v12  }
0x3a: {  	[tilespmem:s30+$0x430] =	vst v23;
	v28 =	vmul.f32 v27, v6;
	v29 =	vmul.f32 v24, v10  }
0x3b: {  	s31 =	simm.s32 $0x200;
	[tilespmem:s30+$0x450] =	vst v27;
	v24 =	vmul.f32 v21, v7;
	v31 =	vmul.f32 v31, v9;
	v23 =	vadd.f32 v33, v32  }
.LBB2_2:
0x3c: {  	p0 =	sne.s32 s31, $0x7E00;
	v26 =	vmul.f32 v26, v13;
	v27 =	vperm.xlane v27, v0;
	[tilespmem:s30+$0x460] =	vst v21;
	s30 =	smov.u32 s31;
	s31 =	sadd.s32 $0x200, s31  }
0x3d: {  	v18 =	vmul.f32 v18, v3;
	v32 =	vmul.f32 v23, v4;
	v31 =	vadd.f32 v31, v19  }
0x3e: {  	v25 =	vmul.f32 v25, v11;
	v21 =	vperm.xlane v21, v0  }
0x3f: {  	v17 =	vmul.f32 v17, v2;
	v26 =	vadd.f32 v26, v20;
	v19 =	vmul.f32 v31, v1  }
0x40: {  	s30 =	sshra.s32 s30, $0x2;
	v33 =	vperm.xlane v23, v0;
	v18 =	vadd.f32 v25, v18;
	v25 =	vmul.f32 v30, v16  }
0x41: {  	v17 =	vadd.f32 v29, v17;
	v21 =	vmul.f32 v21, v15;
	v20 =	vmul.f32 v26, v5;
	[tilespmem:s30+$0x440] =	vst v26  }
0x42: {  	v27 =	vmul.f32 v27, v14;
	v29 =	vadd.f32 v25, v22;
	v26 =	vperm.xlane v26, v0;
	[tilespmem:s30+$0x420] =	vst v18  }
.Ltmp0:
0x43: {  	v34 =	vperm.xlane v17, v0;
	v25 =	vperm.xlane v18, v0;
	v21 =	vadd.f32 v21, v24;
	[tilespmem:s30+$0x410] =	vst v17;
	(pc) =	sbr.rel @p0 .LBB2_2-.Ltmp0, $4  }
0x44: {  	v27 =	vadd.f32 v27, v28;
	v22 =	vmul.f32 v29, v8;
	[tilespmem:s30+$0x400] =	vst v31;
	v31 =	vperm.xlane v31, v0  }
0x45: {  	v28 =	vmul.f32 v33, v12;
	v30 =	vperm.xlane v29, v0;
	[tilespmem:s30+$0x470] =	vst v29  }
0x46: {  	v24 =	vmul.f32 v21, v7;
	v29 =	vmul.f32 v34, v10;
	[tilespmem:s30+$0x430] =	vst v23  }
0x47: {  	v31 =	vmul.f32 v31, v9;
	v23 =	vadd.f32 v28, v32;
	v28 =	vmul.f32 v27, v6;
	[tilespmem:s30+$0x450] =	vst v27  }
0x48: {  	[tilespmem:s30+$0x460] =	vst v21  }
0x49: {  	_ =	swait.ge [sflag:s15], $0x100  }
0x4a: {  	[sflag:s15] =	ssyncset.done $0x0  }
0x4b: {  	s30 =	simm.s32 $0x0;
	[sflag:s15] =	ssyncadd.s32 $0xFFFFFF00  }
0x4c: {  	[tilespmem:s17], [sflag:$0x3] =	stream.indirect.gather.add.f32 [hbm:s2], $0x80, s30, s16, $0xb8;
	[tilespmem:$0x8400] =	vst v63  }
0x4d: {  	v22 =	vld [tilespmem:$0x180]  }
0x4e: {  	v23 =	vld [tilespmem:$0x1B0]  }
0x4f: {  	v24 =	vld [tilespmem:$0x1C0]  }
0x50: {  	v18 =	vld [tilespmem:$0x1A0]  }
0x51: {  	v17 =	vld [tilespmem:$0x190]  }
0x52: {  	v28 =	vld [tilespmem:$0x1F0]  }
0x53: {  	s30 =	simm.s32 $0x0;
	v27 =	vld [tilespmem:$0x1D0];
	v32 =	vmul.f32 v23, v4  }
0x54: {  	v21 =	vld [tilespmem:$0x1E0];
	v19 =	vmul.f32 v22, v1;
	v29 =	vperm.xlane v23, v0;
	[tilespmem:s30+$0x2440] =	vst v24  }
0x55: {  	v20 =	vmul.f32 v24, v5;
	[tilespmem:s30+$0x2420] =	vst v18;
	v26 =	vperm.xlane v24, v0  }
0x56: {  	[tilespmem:s30+$0x2410] =	vst v17;
	v24 =	vperm.xlane v17, v0;
	v25 =	vperm.xlane v18, v0  }
0x57: {  	[tilespmem:s30+$0x2400] =	vst v22;
	v31 =	vperm.xlane v22, v0;
	v22 =	vmul.f32 v28, v8  }
0x58: {  	[tilespmem:s30+$0x2470] =	vst v28;
	v30 =	vperm.xlane v28, v0;
	v33 =	vmul.f32 v29, v12  }
0x59: {  	[tilespmem:s30+$0x2430] =	vst v23;
	v28 =	vmul.f32 v27, v6;
	v29 =	vmul.f32 v24, v10  }
0x5a: {  	s31 =	simm.s32 $0x200;
	[tilespmem:s30+$0x2450] =	vst v27;
	v24 =	vmul.f32 v21, v7;
	v31 =	vmul.f32 v31, v9;
	v23 =	vadd.f32 v33, v32  }
.LBB2_4:
0x5b: {  	p0 =	sne.s32 s31, $0x7E00;
	v26 =	vmul.f32 v26, v13;
	v27 =	vperm.xlane v27, v0;
	[tilespmem:s30+$0x2460] =	vst v21;
	s30 =	smov.u32 s31;
	s31 =	sadd.s32 $0x200, s31  }
0x5c: {  	v18 =	vmul.f32 v18, v3;
	v32 =	vmul.f32 v23, v4;
	v31 =	vadd.f32 v31, v19  }
0x5d: {  	v25 =	vmul.f32 v25, v11;
	v21 =	vperm.xlane v21, v0  }
0x5e: {  	v17 =	vmul.f32 v17, v2;
	v26 =	vadd.f32 v26, v20;
	v19 =	vmul.f32 v31, v1  }
0x5f: {  	s30 =	sshra.s32 s30, $0x2;
	v33 =	vperm.xlane v23, v0;
	v18 =	vadd.f32 v25, v18;
	v25 =	vmul.f32 v30, v16  }
0x60: {  	v17 =	vadd.f32 v29, v17;
	v21 =	vmul.f32 v21, v15;
	v20 =	vmul.f32 v26, v5;
	[tilespmem:s30+$0x2440] =	vst v26  }
0x61: {  	v27 =	vmul.f32 v27, v14;
	v29 =	vadd.f32 v25, v22;
	v26 =	vperm.xlane v26, v0;
	[tilespmem:s30+$0x2420] =	vst v18  }
.Ltmp1:
0x62: {  	v34 =	vperm.xlane v17, v0;
	v25 =	vperm.xlane v18, v0;
	v21 =	vadd.f32 v21, v24;
	[tilespmem:s30+$0x2410] =	vst v17;
	(pc) =	sbr.rel @p0 .LBB2_4-.Ltmp1, $4  }
0x63: {  	v27 =	vadd.f32 v27, v28;
	v22 =	vmul.f32 v29, v8;
	[tilespmem:s30+$0x2400] =	vst v31;
	v31 =	vperm.xlane v31, v0  }
0x64: {  	v28 =	vmul.f32 v33, v12;
	v30 =	vperm.xlane v29, v0;
	[tilespmem:s30+$0x2470] =	vst v29  }
0x65: {  	v24 =	vmul.f32 v21, v7;
	v29 =	vmul.f32 v34, v10;
	[tilespmem:s30+$0x2430] =	vst v23  }
0x66: {  	v31 =	vmul.f32 v31, v9;
	v23 =	vadd.f32 v28, v32;
	v28 =	vmul.f32 v27, v6;
	[tilespmem:s30+$0x2450] =	vst v27  }
0x67: {  	[tilespmem:s30+$0x2460] =	vst v21  }
0x68: {  	[tilespmem:s18], [sflag:$0x4] =	stream.indirect.gather.add.f32 [hbm:s2], $0x80, s16, s16, $0xb8;
	[tilespmem:$0x8400] =	vst v63  }
0x69: {  	v22 =	vld [tilespmem:$0x200]  }
0x6a: {  	v23 =	vld [tilespmem:$0x230]  }
0x6b: {  	v24 =	vld [tilespmem:$0x240]  }
0x6c: {  	v18 =	vld [tilespmem:$0x220]  }
0x6d: {  	v17 =	vld [tilespmem:$0x210]  }
0x6e: {  	v28 =	vld [tilespmem:$0x270]  }
0x6f: {  	s30 =	simm.s32 $0x0;
	v27 =	vld [tilespmem:$0x250];
	v32 =	vmul.f32 v23, v4  }
0x70: {  	v21 =	vld [tilespmem:$0x260];
	v19 =	vmul.f32 v22, v1;
	v29 =	vperm.xlane v23, v0;
	[tilespmem:s30+$0x4440] =	vst v24  }
0x71: {  	v20 =	vmul.f32 v24, v5;
	[tilespmem:s30+$0x4420] =	vst v18;
	v26 =	vperm.xlane v24, v0  }
0x72: {  	[tilespmem:s30+$0x4410] =	vst v17;
	v24 =	vperm.xlane v17, v0;
	v25 =	vperm.xlane v18, v0  }
0x73: {  	[tilespmem:s30+$0x4400] =	vst v22;
	v31 =	vperm.xlane v22, v0;
	v22 =	vmul.f32 v28, v8  }
0x74: {  	[tilespmem:s30+$0x4470] =	vst v28;
	v30 =	vperm.xlane v28, v0;
	v33 =	vmul.f32 v29, v12  }
0x75: {  	[tilespmem:s30+$0x4430] =	vst v23;
	v28 =	vmul.f32 v27, v6;
	v29 =	vmul.f32 v24, v10  }
0x76: {  	s31 =	simm.s32 $0x200;
	[tilespmem:s30+$0x4450] =	vst v27;
	v24 =	vmul.f32 v21, v7;
	v31 =	vmul.f32 v31, v9;
	v23 =	vadd.f32 v33, v32  }
.LBB2_6:
0x77: {  	p0 =	sne.s32 s31, $0x7E00;
	v26 =	vmul.f32 v26, v13;
	v27 =	vperm.xlane v27, v0;
	[tilespmem:s30+$0x4460] =	vst v21;
	s30 =	smov.u32 s31;
	s31 =	sadd.s32 $0x200, s31  }
0x78: {  	v18 =	vmul.f32 v18, v3;
	v32 =	vmul.f32 v23, v4;
	v31 =	vadd.f32 v31, v19  }
0x79: {  	v25 =	vmul.f32 v25, v11;
	v21 =	vperm.xlane v21, v0  }
0x7a: {  	v17 =	vmul.f32 v17, v2;
	v26 =	vadd.f32 v26, v20;
	v19 =	vmul.f32 v31, v1  }
0x7b: {  	s30 =	sshra.s32 s30, $0x2;
	v33 =	vperm.xlane v23, v0;
	v18 =	vadd.f32 v25, v18;
	v25 =	vmul.f32 v30, v16  }
0x7c: {  	v17 =	vadd.f32 v29, v17;
	v21 =	vmul.f32 v21, v15;
	v20 =	vmul.f32 v26, v5;
	[tilespmem:s30+$0x4440] =	vst v26  }
0x7d: {  	v27 =	vmul.f32 v27, v14;
	v29 =	vadd.f32 v25, v22;
	v26 =	vperm.xlane v26, v0;
	[tilespmem:s30+$0x4420] =	vst v18  }
.Ltmp2:
0x7e: {  	v34 =	vperm.xlane v17, v0;
	v25 =	vperm.xlane v18, v0;
	v21 =	vadd.f32 v21, v24;
	[tilespmem:s30+$0x4410] =	vst v17;
	(pc) =	sbr.rel @p0 .LBB2_6-.Ltmp2, $4  }
0x7f: {  	v27 =	vadd.f32 v27, v28;
	v22 =	vmul.f32 v29, v8;
	[tilespmem:s30+$0x4400] =	vst v31;
	v31 =	vperm.xlane v31, v0  }
0x80: {  	v28 =	vmul.f32 v33, v12;
	v30 =	vperm.xlane v29, v0;
	[tilespmem:s30+$0x4470] =	vst v29  }
0x81: {  	v24 =	vmul.f32 v21, v7;
	v29 =	vmul.f32 v34, v10;
	[tilespmem:s30+$0x4430] =	vst v23  }
0x82: {  	v31 =	vmul.f32 v31, v9;
	v23 =	vadd.f32 v28, v32;
	v28 =	vmul.f32 v27, v6;
	[tilespmem:s30+$0x4450] =	vst v27  }
0x83: {  	[tilespmem:s30+$0x4460] =	vst v21  }
0x84: {  	[tilespmem:s20], [sflag:$0x5] =	stream.indirect.gather.add.f32 [hbm:s2], $0x80, s19, s16, $0xb8;
	[tilespmem:$0x8400] =	vst v63  }
0x85: {  	v22 =	vld [tilespmem:$0x280]  }
0x86: {  	v23 =	vld [tilespmem:$0x2B0]  }
0x87: {  	v24 =	vld [tilespmem:$0x2C0]  }
0x88: {  	v18 =	vld [tilespmem:$0x2A0]  }
0x89: {  	v17 =	vld [tilespmem:$0x290]  }
0x8a: {  	v28 =	vld [tilespmem:$0x2F0]  }
0x8b: {  	s30 =	simm.s32 $0x0;
	v27 =	vld [tilespmem:$0x2D0];
	v32 =	vmul.f32 v23, v4  }
0x8c: {  	v21 =	vld [tilespmem:$0x2E0];
	v19 =	vmul.f32 v22, v1;
	v29 =	vperm.xlane v23, v0;
	[tilespmem:s30+$0x6440] =	vst v24  }
0x8d: {  	v20 =	vmul.f32 v24, v5;
	[tilespmem:s30+$0x6420] =	vst v18;
	v26 =	vperm.xlane v24, v0  }
0x8e: {  	[tilespmem:s30+$0x6410] =	vst v17;
	v24 =	vperm.xlane v17, v0;
	v25 =	vperm.xlane v18, v0  }
0x8f: {  	[tilespmem:s30+$0x6400] =	vst v22;
	v31 =	vperm.xlane v22, v0;
	v22 =	vmul.f32 v28, v8  }
0x90: {  	[tilespmem:s30+$0x6470] =	vst v28;
	v30 =	vperm.xlane v28, v0;
	v33 =	vmul.f32 v29, v12  }
0x91: {  	[tilespmem:s30+$0x6430] =	vst v23;
	v28 =	vmul.f32 v27, v6;
	v29 =	vmul.f32 v24, v10  }
0x92: {  	s31 =	simm.s32 $0x200;
	[tilespmem:s30+$0x6450] =	vst v27;
	v24 =	vmul.f32 v21, v7;
	v31 =	vmul.f32 v31, v9;
	v23 =	vadd.f32 v33, v32  }
.LBB2_8:
0x93: {  	p0 =	sne.s32 s31, $0x7E00;
	v26 =	vmul.f32 v26, v13;
	v27 =	vperm.xlane v27, v0;
	[tilespmem:s30+$0x6460] =	vst v21;
	s30 =	smov.u32 s31;
	s31 =	sadd.s32 $0x200, s31  }
0x94: {  	v18 =	vmul.f32 v18, v3;
	v32 =	vmul.f32 v23, v4;
	v31 =	vadd.f32 v31, v19  }
0x95: {  	v25 =	vmul.f32 v25, v11;
	v21 =	vperm.xlane v21, v0  }
0x96: {  	v17 =	vmul.f32 v17, v2;
	v26 =	vadd.f32 v26, v20;
	v19 =	vmul.f32 v31, v1  }
0x97: {  	s30 =	sshra.s32 s30, $0x2;
	v33 =	vperm.xlane v23, v0;
	v18 =	vadd.f32 v25, v18;
	v25 =	vmul.f32 v30, v16  }
0x98: {  	v17 =	vadd.f32 v29, v17;
	v21 =	vmul.f32 v21, v15;
	v20 =	vmul.f32 v26, v5;
	[tilespmem:s30+$0x6440] =	vst v26  }
0x99: {  	v27 =	vmul.f32 v27, v14;
	v29 =	vadd.f32 v25, v22;
	v26 =	vperm.xlane v26, v0;
	[tilespmem:s30+$0x6420] =	vst v18  }
.Ltmp3:
0x9a: {  	v34 =	vperm.xlane v17, v0;
	v25 =	vperm.xlane v18, v0;
	v21 =	vadd.f32 v21, v24;
	[tilespmem:s30+$0x6410] =	vst v17;
	(pc) =	sbr.rel @p0 .LBB2_8-.Ltmp3, $4  }
0x9b: {  	v27 =	vadd.f32 v27, v28;
	v22 =	vmul.f32 v29, v8;
	[tilespmem:s30+$0x6400] =	vst v31;
	v31 =	vperm.xlane v31, v0  }
0x9c: {  	v28 =	vmul.f32 v33, v12;
	v30 =	vperm.xlane v29, v0;
	[tilespmem:s30+$0x6470] =	vst v29  }
0x9d: {  	v24 =	vmul.f32 v21, v7;
	v29 =	vmul.f32 v34, v10;
	[tilespmem:s30+$0x6430] =	vst v23  }
0x9e: {  	v31 =	vmul.f32 v31, v9;
	v23 =	vadd.f32 v28, v32;
	v28 =	vmul.f32 v27, v6;
	[tilespmem:s30+$0x6450] =	vst v27  }
0x9f: {  	[tilespmem:s30+$0x6460] =	vst v21  }
0xa0: {  	[tilespmem:s22], [sflag:$0x6] =	stream.indirect.gather.add.f32 [hbm:s2], $0x80, s21, s16, $0xb8;
	[tilespmem:$0x8400] =	vst v63  }
0xa1: {  	_ =	swait.ge [sflag:s23], $0x2000  }
0xa2: {  	[sflag:s23] =	ssyncset.done $0x0  }
0xa3: {  	[sflag:s23] =	ssyncadd.s32 $0xFFFFE000  }
0xa4: {  	[hbm4b:s7+s3] =	stream.linear.scatter [tilespmem:s17], [sflag:$0x7], $0x2000, $0x38;
	[tilespmem:$0x8400] =	vst v63  }
0xa5: {  	_ =	swait.ge [sflag:s24], $0x2000  }
0xa6: {  	[sflag:s24] =	ssyncset.done $0x0  }
0xa7: {  	[sflag:s24] =	ssyncadd.s32 $0xFFFFE000  }
0xa8: {  	[hbm4b:s8+s3] =	stream.linear.scatter [tilespmem:s18], [sflag:$0x7], $0x2000, $0x38;
	[tilespmem:$0x8400] =	vst v63  }
0xa9: {  	_ =	swait.ge [sflag:s25], $0x2000  }
0xaa: {  	[sflag:s25] =	ssyncset.done $0x0  }
0xab: {  	[sflag:s25] =	ssyncadd.s32 $0xFFFFE000  }
0xac: {  	[hbm4b:s9+s3] =	stream.linear.scatter [tilespmem:s20], [sflag:$0x7], $0x2000, $0x38;
	[tilespmem:$0x8400] =	vst v63  }
0xad: {  	_ =	swait.ge [sflag:s26], $0x2000  }
0xae: {  	[sflag:s26] =	ssyncset.done $0x0  }
0xaf: {  	[sflag:s26] =	ssyncadd.s32 $0xFFFFE000  }
0xb0: {  	[hbm4b:s10+s3] =	stream.linear.scatter [tilespmem:s22], [sflag:$0x7], $0x2000, $0x38;
	[tilespmem:$0x8400] =	vst v63  }
0xb1: {  	_ =	swait.ge [sflag:s28], $0x2000  }
0xb2: {  	[sflag:s28] =	ssyncset.done $0x0  }
0xb3: {  	[sflag:s28] =	ssyncadd.s32 $0xFFFFE000  }
0xb4: {  	_ =	swait.ge [sflag:s28], $0x2000  }
0xb5: {  	[sflag:s28] =	ssyncset.done $0x0  }
0xb6: {  	s29 =	sadd.s32 $0x1, s29;
	[sflag:s28] =	ssyncadd.s32 $0xFFFFE000  }
0xb7: {  	p0 =	sne.s32 s29, s11;
	_ =	swait.ge [sflag:s28], $0x2000  }
.Ltmp4:
0xb8: {  	[sflag:s28] =	ssyncset.done $0x0;
	(pc) =	sbr.rel @p0 .LBB2_1-.Ltmp4, $4  }
0xb9: {  	[sflag:s28] =	ssyncadd.s32 $0xFFFFE000  }
0xba: {  	_ =	swait.ge [sflag:s28], $0x2000  }
0xbb: {  	[sflag:s28] =	ssyncset.done $0x0  }
0xbc: {  	[sflag:s28] =	ssyncadd.s32 $0xFFFFE000  }
0xbd: {  	_ =	sfence.sel $0x180000  }
0xbe: {  	[bflag:$0x0] =	sbarrier.arrive $0xFFFF  }
0xbf: {  	p0 =	sne.s32 s1, $0x0;
	_ =	strace $0x90000047  }
0xc0: {  	s0 =	sadd.s32 @!p0 $0x100000, s0;
	[bflag:$0x2] =	sbarrier.arrive $0xFFFF  }
0xc1: {  	[sflag:s0] =	ssyncadd.tile.s32 @!p0 $0x1;
	_ =	shalt  }
.Lfunc_end2:
_tile_overlayer_lowered:
.L_overlay_start_2:
0xc2: {  	(tag) =	ssettag $0x2  }
0xc3: {  	s0 =	rddreg [dreg:$0x0];
	s2 =	stileid.u32  }
0xc4: {  	s1 =	rddreg [dreg:$0x1];
	p0 =	sne.s32 s2, $0x0  }
0xc5: {  	s3 =	rddreg [dreg:$0x2];
	[bflag:$0x3] =	sbarrier.arrive $0xFFFF;
	s2 =	simm.s32 @!p0 $0x1C08  }
0xc6: {  	[timem:s3], [sflag:s2] =	dma.local @!p0 [hbm:s0], s1  }
0xc7: {  	s0 =	simm.s32 @!p0 $0x8  }
0xc8: {  	_ =	swait.ge @!p0 [sflag:s0], s1  }
0xc9: {  	s1 =	ssub.s32 @!p0 $0x0, s1;
	[sflag:s0] =	ssyncset.done @!p0 $0x0  }
0xca: {  	[sflag:s0] =	ssyncadd.s32 @!p0 s1  }
0xcb: {  	[bflag:$0x3] =	sbarrier.arrive $0xFFFF  }
0xcc: {  	_ =	shalt  }

</sc_bundles>
